<compile_context>
chip_gen: v7x
topology: tpu7x:2x2x1
jax: 0.10.2.dev20260603
libtpu: 0.0.44.dev20260713+nightly
codegen_flags: <defaults>
</compile_context>

<pallas_src>
import functools

import jax
import jax.numpy as jnp
from jax import lax
from jax.experimental import pallas as pl
from jax.experimental.pallas import tpu as pltpu
from jax.experimental.pallas import tpu_sc as plsc

N = 10000
E = 320000
D_IN = 128
DH = 64

NC = 2
NS = 16
NW = NC * NS
CHUNK = 128
NCH = 80
E_PAD = NW * NCH * CHUNK
NP = 10112
RPT = NP // NS
MB = 1

_MESH = plsc.VectorSubcoreMesh(core_axis_name="c", subcore_axis_name="s")



def _deg_body(dst_hbm, ones_hbm, z16_hbm, out_hbm, didx_v, ones_v, acc_sh, sem):
    c = lax.axis_index("c")
    s = lax.axis_index("s")
    wid = c * NS + s
    base = s * RPT
    pltpu.sync_copy(dst_hbm.at[wid], didx_v)
    pltpu.sync_copy(ones_hbm, ones_v)
    pltpu.sync_copy(z16_hbm.at[pl.ds(base, RPT)], acc_sh.at[pl.ds(base, RPT)])
    plsc.subcore_barrier()

    def body(j, carry):
        pltpu.sync_copy(ones_v, acc_sh.at[didx_v.at[j]], add=True)
        return carry

    lax.fori_loop(0, NCH, body, 0)
    plsc.subcore_barrier()
    pltpu.sync_copy(acc_sh.at[pl.ds(base, RPT)], out_hbm.at[c, pl.ds(base, RPT)])


@functools.partial(
    pl.kernel,
    out_type=jax.ShapeDtypeStruct((NC, NP, 16), jnp.float32),
    mesh=_MESH,
    compiler_params=pltpu.CompilerParams(use_tc_tiling_on_sc=False),
    scratch_types=[
        pltpu.VMEM((NCH, CHUNK), jnp.int32),
        pltpu.VMEM((CHUNK, 16), jnp.float32),
        pltpu.VMEM_SHARED((NP, 16), jnp.float32),
        pltpu.SemaphoreType.DMA,
    ],
)
def _deg_kernel(dst_hbm, ones_hbm, z16_hbm, out_hbm, didx_v, ones_v, acc_sh, sem):
    _deg_body(dst_hbm, ones_hbm, z16_hbm, out_hbm, didx_v, ones_v, acc_sh, sem)


def _mp_body(hs_hbm, src_hbm, dst_hbm, z64_hbm, out_hbm,
             sidx_v, didx_v, gbuf, gbuf2, hs_sh, acc_sh, sem, sem2):
    c = lax.axis_index("c")
    s = lax.axis_index("s")
    wid = c * NS + s
    base = s * RPT
    stages = [
        pltpu.async_copy(src_hbm.at[wid], sidx_v, sem),
        pltpu.async_copy(dst_hbm.at[wid], didx_v, sem),
        pltpu.async_copy(hs_hbm.at[pl.ds(base, RPT)],
                         hs_sh.at[pl.ds(base, RPT)], sem),
        pltpu.async_copy(z64_hbm.at[pl.ds(base, RPT)],
                         acc_sh.at[pl.ds(base, RPT)], sem),
    ]
    for d in stages:
        d.wait()
    plsc.subcore_barrier()

    nmb = NCH // MB

    def blk(j):
        return pl.ds(j * MB * CHUNK, MB * CHUNK)

    pltpu.async_copy(hs_sh.at[sidx_v.at[blk(0)]], gbuf, sem)

    def body(i, carry):
        j0 = 2 * i
        pltpu.make_async_copy(hs_sh.at[sidx_v.at[blk(j0)]], gbuf, sem).wait()
        pltpu.async_copy(hs_sh.at[sidx_v.at[blk(j0 + 1)]], gbuf2, sem2)
        pltpu.sync_copy(gbuf, acc_sh.at[didx_v.at[blk(j0)]], add=True)
        jn = jnp.minimum(j0 + 2, nmb - 1)
        pltpu.make_async_copy(hs_sh.at[sidx_v.at[blk(j0 + 1)]], gbuf2, sem2).wait()
        pltpu.async_copy(hs_sh.at[sidx_v.at[blk(jn)]], gbuf, sem)
        pltpu.sync_copy(gbuf2, acc_sh.at[didx_v.at[blk(j0 + 1)]], add=True)
        return carry

    lax.fori_loop(0, nmb // 2, body, 0)
    pltpu.make_async_copy(hs_sh.at[sidx_v.at[blk(nmb - 1)]], gbuf, sem).wait()
    plsc.subcore_barrier()
    pltpu.sync_copy(acc_sh.at[pl.ds(base, RPT)], out_hbm.at[c, pl.ds(base, RPT)])


@functools.partial(
    pl.kernel,
    out_type=jax.ShapeDtypeStruct((NC, NP, DH), jnp.float32),
    mesh=_MESH,
    compiler_params=pltpu.CompilerParams(use_tc_tiling_on_sc=False),
    scratch_types=[
        pltpu.VMEM((NCH * CHUNK,), jnp.int32),
        pltpu.VMEM((NCH * CHUNK,), jnp.int32),
        pltpu.VMEM((MB * CHUNK, DH), jnp.float32),
        pltpu.VMEM((MB * CHUNK, DH), jnp.float32),
        pltpu.VMEM_SHARED((NP, DH), jnp.float32),
        pltpu.VMEM_SHARED((NP, DH), jnp.float32),
        pltpu.SemaphoreType.DMA,
        pltpu.SemaphoreType.DMA,
    ],
)
def _mp_kernel(hs_hbm, src_hbm, dst_hbm, z64_hbm, out_hbm,
               sidx_v, didx_v, gbuf, gbuf2, hs_sh, acc_sh, sem, sem2):
    _mp_body(hs_hbm, src_hbm, dst_hbm, z64_hbm, out_hbm,
             sidx_v, didx_v, gbuf, gbuf2, hs_sh, acc_sh, sem, sem2)



def _tc_a_body(x_ref, w1_ref, dp_ref, hs_ref, dis_ref):
    deg = dp_ref[0, 0:N, 0:1] + dp_ref[1, 0:N, 0:1] + 1.0
    dis = lax.rsqrt(deg)
    dis_ref[...] = dis
    h = jnp.dot(x_ref[...], w1_ref[...], preferred_element_type=jnp.float32)
    hs_ref[0:N, :] = dis * h
    hs_ref[N:NP, :] = jnp.zeros((NP - N, DH), jnp.float32)


def _tc_mid_body(p_ref, hs_ref, dis_ref, b_ref, g_ref, be_ref, w2_ref, out_ref,
                 *, eps=1e-5):
    dis = dis_ref[...]
    acc = (p_ref[0, 0:N, :] 
           + p_ref[1, 0:N, :].astype(jnp.float32)
           + hs_ref[0:N, :].astype(jnp.float32))
    z = dis * acc + b_ref[...]
    m = jnp.mean(z, axis=0, keepdims=True)
    v = jnp.mean((z - m) ** 2, axis=0, keepdims=True)
    zn = g_ref[...] * (z - m) * lax.rsqrt(v + eps) + be_ref[...]
    h = jnp.maximum(zn, 0.0)
    h2 = jnp.dot(h, w2_ref[...], preferred_element_type=jnp.float32)
    out_ref[0:N, :] = (dis * h2).astype(jnp.float32)
    out_ref[N:NP, :] = jnp.zeros((NP - N, DH), jnp.float32)


def _tc_out_body(p_ref, hs_ref, dis_ref, b_ref, g_ref, be_ref, out_ref,
                 *, eps=1e-5):
    dis = dis_ref[...]
    acc = (p_ref[0, 0:N, :] 
           + p_ref[1, 0:N, :].astype(jnp.float32)
           + hs_ref[0:N, :].astype(jnp.float32))
    z = dis * acc + b_ref[...]
    m = jnp.mean(z, axis=0, keepdims=True)
    v = jnp.mean((z - m) ** 2, axis=0, keepdims=True)
    zn = g_ref[...] * (z - m) * lax.rsqrt(v + eps) + be_ref[...]
    out_ref[...] = jnp.maximum(zn, 0.0)



def kernel(x, edge_index, W1, b1, gamma1, beta1, W2, b2, gamma2, beta2):
    pad = jnp.full((E_PAD - E,), N, dtype=jnp.int32)
    src = jnp.concatenate([edge_index[0], pad]).reshape(NW, NCH * CHUNK)
    dst = jnp.concatenate([edge_index[1], pad]).reshape(NW, NCH * CHUNK)
    dst_deg = dst.reshape(NW, NCH, CHUNK)
    ones16 = jnp.ones((CHUNK, 16), jnp.float32)
    z16 = jnp.zeros((NP, 16), jnp.float32)
    z64 = jnp.zeros((NP, DH), jnp.float32)

    degpart = _deg_kernel(dst_deg, ones16, z16)

    hs1, dis = pl.pallas_call(
        _tc_a_body,
        out_shape=(jax.ShapeDtypeStruct((NP, DH), jnp.float32),
                   jax.ShapeDtypeStruct((N, 1), jnp.float32)),
    )(x, W1, degpart)

    p1 = _mp_kernel(hs1, src, dst, z64)

    hs2 = pl.pallas_call(
        _tc_mid_body,
        out_shape=jax.ShapeDtypeStruct((NP, DH), jnp.float32),
    )(p1, hs1, dis, b1, gamma1, beta1, W2)

    p2 = _mp_kernel(hs2, src, dst, z64)

    out = pl.pallas_call(
        _tc_out_body,
        out_shape=jax.ShapeDtypeStruct((N, DH), jnp.float32),
    )(p2, hs2, dis, b2, gamma2, beta2)

    return out

# --- scband reference (transcript-rebuilt; emitter-appended) ---
"""Pipeline reference for scband-gcn-node-45801531245068 (READ-ONLY COPY).

The authoritative reference and input builder live on the scoring server;
editing this copy changes nothing except your own understanding.
"""

import jax, jax.numpy as jnp
import numpy as np

N = 10000
E = 320000
D_IN = 128
D_HID = 64
D_OUT = 64


def setup_inputs(seed: int = 0) -> dict:
    key = jax.random.key(seed)
    ks = jax.random.split(key, 10)
    x = jax.random.normal(ks[0], (N, D_IN), dtype=jnp.float32)
    edge_index = jax.random.randint(ks[1], (2, E), 0, N, dtype=jnp.int32)
    W1 = jax.random.normal(ks[2], (D_IN, D_HID), dtype=jnp.float32) * (1.0 / np.sqrt(D_IN))
    b1 = jnp.zeros((D_HID,), dtype=jnp.float32)
    gamma1 = jnp.ones((D_HID,), dtype=jnp.float32)
    beta1 = jnp.zeros((D_HID,), dtype=jnp.float32)
    W2 = jax.random.normal(ks[3], (D_HID, D_OUT), dtype=jnp.float32) * (1.0 / np.sqrt(D_HID))
    b2 = jnp.zeros((D_OUT,), dtype=jnp.float32)
    gamma2 = jnp.ones((D_OUT,), dtype=jnp.float32)
    beta2 = jnp.zeros((D_OUT,), dtype=jnp.float32)
    return {"x": x, "edge_index": edge_index, "W1": W1, "b1": b1, "gamma1": gamma1,
            "beta1": beta1, "W2": W2, "b2": b2, "gamma2": gamma2, "beta2": beta2}


def _gcn_conv(x, edge_index, W, b):
    # PyG GCNConv: add self-loops, symmetric normalization D^-1/2 (A+I) D^-1/2, linear, scatter-add
    num_nodes = x.shape[0]
    loop = jnp.arange(num_nodes, dtype=edge_index.dtype)
    src = jnp.concatenate([edge_index[0], loop])
    dst = jnp.concatenate([edge_index[1], loop])
    deg = jnp.zeros((num_nodes,), dtype=x.dtype).at[dst].add(1.0)
    deg_inv_sqrt = jnp.where(deg > 0, deg ** -0.5, 0.0)
    norm = deg_inv_sqrt[src] * deg_inv_sqrt[dst]
    h = x @ W
    msg = h[src] * norm[:, None]
    out = jnp.zeros((num_nodes, h.shape[1]), dtype=h.dtype).at[dst].add(msg)
    return out + b


def _batch_norm(x, gamma, beta, eps=1e-5):
    mean = jnp.mean(x, axis=0)
    var = jnp.var(x, axis=0)  # biased, matches torch BN normalization
    return gamma * (x - mean) / jnp.sqrt(var + eps) + beta


def reference(x, edge_index, W1, b1, gamma1, beta1, W2, b2, gamma2, beta2):
    h = _gcn_conv(x, edge_index, W1, b1)
    h = _batch_norm(h, gamma1, beta1)
    h = jax.nn.relu(h)
    h = _gcn_conv(h, edge_index, W2, b2)
    h = _batch_norm(h, gamma2, beta2)
    h = jax.nn.relu(h)
    return h

if __name__ == "__main__":
    import jax
    _d = setup_inputs()
    print(jax.jit(kernel)(*tuple(_d.values())))

</pallas_src>

<mosaic_0001>
#map = affine_map<(d0, d1) -> (0, 0)>
#map1 = affine_map<(d0, d1) -> (0, 0, 0)>
module attributes {stable_mosaic.version = 14 : i64} {
  func.func @_mp_kernel(%arg0: i32, %arg1: i32, %arg2: memref<10112x64xf32, #tpu.memory_space<hbm>>, %arg3: memref<32x10240xi32, #tpu.memory_space<hbm>>, %arg4: memref<32x10240xi32, #tpu.memory_space<hbm>>, %arg5: memref<10112x64xf32, #tpu.memory_space<hbm>>, %arg6: memref<2x10112x64xf32, #tpu.memory_space<hbm>>, %arg7: memref<10240xi32, #tpu.memory_space<vmem>>, %arg8: memref<10240xi32, #tpu.memory_space<vmem>>, %arg9: memref<128x64xf32, #tpu.memory_space<vmem>>, %arg10: memref<128x64xf32, #tpu.memory_space<vmem>>, %arg11: memref<10112x64xf32, #tpu.memory_space<vmem_shared>>, %arg12: memref<10112x64xf32, #tpu.memory_space<vmem_shared>>, %arg13: memref<!tpu.dma_semaphore, #tpu.memory_space<semaphore_mem>>, %arg14: memref<!tpu.dma_semaphore, #tpu.memory_space<semaphore_mem>>) attributes {dimension_semantics = [#tpu.dimension_semantics<core_parallel>, #tpu.dimension_semantics<subcore_parallel>], iteration_bounds = array<i64: 2, 16>, scalar_prefetch = 0 : i64, scratch_operands = 8 : i64, tpu.core_type = #tpu.core_type<sc_vector_subcore>, window_params = [{transform_indices = #map}, {transform_indices = #map}, {transform_indices = #map}, {transform_indices = #map}, {transform_indices = #map1}]} {
    %mul3A = arith.constant 16 : i32
    %mul3A_0 = arith.muli %arg0, %mul3A : i32
    %add3A = arith.addi %mul3A_0, %arg1 : i32
    %mul3A_1 = arith.constant 632 : i32
    %mul3A_2 = arith.muli %arg1, %mul3A_1 : i32
    %dma_start3A = arith.constant 0 : i32
    %dma_start3A_3 = tpu.memref_slice %arg3[%add3A, %dma_start3A] : memref<32x10240xi32, #tpu.memory_space<hbm>> -> memref<1x10240xi32, #tpu.memory_space<hbm>>
    %dma_start3A_4 = tpu.memref_squeeze %dma_start3A_3 : memref<1x10240xi32, #tpu.memory_space<hbm>> -> memref<10240xi32, #tpu.memory_space<hbm>>
    %dma_start3A_5 = arith.constant 0 : i32
    %dma_start3A_6 = tpu.memref_slice %arg3[%add3A, %dma_start3A_5] : memref<32x10240xi32, #tpu.memory_space<hbm>> -> memref<1x10240xi32, #tpu.memory_space<hbm>>
    %dma_start3A_7 = tpu.memref_squeeze %dma_start3A_6 : memref<1x10240xi32, #tpu.memory_space<hbm>> -> memref<10240xi32, #tpu.memory_space<hbm>>
    tpu.enqueue_dma source(%dma_start3A_7 : memref<10240xi32, #tpu.memory_space<hbm>>) target(%arg7 : memref<10240xi32, #tpu.memory_space<vmem>>) target_semaphore(%arg13 : memref<!tpu.dma_semaphore, #tpu.memory_space<semaphore_mem>>)
    %dma_start3A_8 = arith.constant 0 : i32
    %dma_start3A_9 = tpu.memref_slice %arg4[%add3A, %dma_start3A_8] : memref<32x10240xi32, #tpu.memory_space<hbm>> -> memref<1x10240xi32, #tpu.memory_space<hbm>>
    %dma_start3A_10 = tpu.memref_squeeze %dma_start3A_9 : memref<1x10240xi32, #tpu.memory_space<hbm>> -> memref<10240xi32, #tpu.memory_space<hbm>>
    %dma_start3A_11 = arith.constant 0 : i32
    %dma_start3A_12 = tpu.memref_slice %arg4[%add3A, %dma_start3A_11] : memref<32x10240xi32, #tpu.memory_space<hbm>> -> memref<1x10240xi32, #tpu.memory_space<hbm>>
    %dma_start3A_13 = tpu.memref_squeeze %dma_start3A_12 : memref<1x10240xi32, #tpu.memory_space<hbm>> -> memref<10240xi32, #tpu.memory_space<hbm>>
    tpu.enqueue_dma source(%dma_start3A_13 : memref<10240xi32, #tpu.memory_space<hbm>>) target(%arg8 : memref<10240xi32, #tpu.memory_space<vmem>>) target_semaphore(%arg13 : memref<!tpu.dma_semaphore, #tpu.memory_space<semaphore_mem>>)
    %dma_start3A_14 = arith.constant 0 : i32
    %dma_start3A_15 = tpu.memref_slice %arg11[%mul3A_2, %dma_start3A_14] : memref<10112x64xf32, #tpu.memory_space<vmem_shared>> -> memref<632x64xf32, #tpu.memory_space<vmem_shared>>
    %dma_start3A_16 = arith.constant 0 : i32
    %dma_start3A_17 = tpu.memref_slice %arg2[%mul3A_2, %dma_start3A_16] : memref<10112x64xf32, #tpu.memory_space<hbm>> -> memref<632x64xf32, #tpu.memory_space<hbm>>
    tpu.enqueue_dma source(%dma_start3A_17 : memref<632x64xf32, #tpu.memory_space<hbm>>) target(%dma_start3A_15 : memref<632x64xf32, #tpu.memory_space<vmem_shared>>) target_semaphore(%arg13 : memref<!tpu.dma_semaphore, #tpu.memory_space<semaphore_mem>>)
    %dma_start3A_18 = arith.constant 0 : i32
    %dma_start3A_19 = tpu.memref_slice %arg12[%mul3A_2, %dma_start3A_18] : memref<10112x64xf32, #tpu.memory_space<vmem_shared>> -> memref<632x64xf32, #tpu.memory_space<vmem_shared>>
    %dma_start3A_20 = arith.constant 0 : i32
    %dma_start3A_21 = tpu.memref_slice %arg5[%mul3A_2, %dma_start3A_20] : memref<10112x64xf32, #tpu.memory_space<hbm>> -> memref<632x64xf32, #tpu.memory_space<hbm>>
    tpu.enqueue_dma source(%dma_start3A_21 : memref<632x64xf32, #tpu.memory_space<hbm>>) target(%dma_start3A_19 : memref<632x64xf32, #tpu.memory_space<vmem_shared>>) target_semaphore(%arg13 : memref<!tpu.dma_semaphore, #tpu.memory_space<semaphore_mem>>)
    %dma_wait3A = arith.constant 0 : i32
    %dma_wait3A_22 = tpu.memref_slice %arg3[%add3A, %dma_wait3A] : memref<32x10240xi32, #tpu.memory_space<hbm>> -> memref<1x10240xi32, #tpu.memory_space<hbm>>
    %dma_wait3A_23 = tpu.memref_squeeze %dma_wait3A_22 : memref<1x10240xi32, #tpu.memory_space<hbm>> -> memref<10240xi32, #tpu.memory_space<hbm>>
    %dma_wait3A_24 = arith.constant 0 : i32
    %dma_wait3A_25 = tpu.memref_slice %arg3[%add3A, %dma_wait3A_24] : memref<32x10240xi32, #tpu.memory_space<hbm>> -> memref<1x10240xi32, #tpu.memory_space<hbm>>
    %dma_wait3A_26 = tpu.memref_squeeze %dma_wait3A_25 : memref<1x10240xi32, #tpu.memory_space<hbm>> -> memref<10240xi32, #tpu.memory_space<hbm>>
    tpu.wait_dma2 semaphore(%arg13 : memref<!tpu.dma_semaphore, #tpu.memory_space<semaphore_mem>>) src(%dma_wait3A_26 : memref<10240xi32, #tpu.memory_space<hbm>>) dst(%arg7 : memref<10240xi32, #tpu.memory_space<vmem>>)
    %dma_wait3A_27 = arith.constant 0 : i32
    %dma_wait3A_28 = tpu.memref_slice %arg4[%add3A, %dma_wait3A_27] : memref<32x10240xi32, #tpu.memory_space<hbm>> -> memref<1x10240xi32, #tpu.memory_space<hbm>>
    %dma_wait3A_29 = tpu.memref_squeeze %dma_wait3A_28 : memref<1x10240xi32, #tpu.memory_space<hbm>> -> memref<10240xi32, #tpu.memory_space<hbm>>
    %dma_wait3A_30 = arith.constant 0 : i32
    %dma_wait3A_31 = tpu.memref_slice %arg4[%add3A, %dma_wait3A_30] : memref<32x10240xi32, #tpu.memory_space<hbm>> -> memref<1x10240xi32, #tpu.memory_space<hbm>>
    %dma_wait3A_32 = tpu.memref_squeeze %dma_wait3A_31 : memref<1x10240xi32, #tpu.memory_space<hbm>> -> memref<10240xi32, #tpu.memory_space<hbm>>
    tpu.wait_dma2 semaphore(%arg13 : memref<!tpu.dma_semaphore, #tpu.memory_space<semaphore_mem>>) src(%dma_wait3A_32 : memref<10240xi32, #tpu.memory_space<hbm>>) dst(%arg8 : memref<10240xi32, #tpu.memory_space<vmem>>)
    %dma_wait3A_33 = arith.constant 0 : i32
    %dma_wait3A_34 = tpu.memref_slice %arg11[%mul3A_2, %dma_wait3A_33] : memref<10112x64xf32, #tpu.memory_space<vmem_shared>> -> memref<632x64xf32, #tpu.memory_space<vmem_shared>>
    %dma_wait3A_35 = arith.constant 0 : i32
    %dma_wait3A_36 = tpu.memref_slice %arg2[%mul3A_2, %dma_wait3A_35] : memref<10112x64xf32, #tpu.memory_space<hbm>> -> memref<632x64xf32, #tpu.memory_space<hbm>>
    tpu.wait_dma2 semaphore(%arg13 : memref<!tpu.dma_semaphore, #tpu.memory_space<semaphore_mem>>) src(%dma_wait3A_36 : memref<632x64xf32, #tpu.memory_space<hbm>>) dst(%dma_wait3A_34 : memref<632x64xf32, #tpu.memory_space<vmem_shared>>)
    %dma_wait3A_37 = arith.constant 0 : i32
    %dma_wait3A_38 = tpu.memref_slice %arg12[%mul3A_2, %dma_wait3A_37] : memref<10112x64xf32, #tpu.memory_space<vmem_shared>> -> memref<632x64xf32, #tpu.memory_space<vmem_shared>>
    %dma_wait3A_39 = arith.constant 0 : i32
    %dma_wait3A_40 = tpu.memref_slice %arg5[%mul3A_2, %dma_wait3A_39] : memref<10112x64xf32, #tpu.memory_space<hbm>> -> memref<632x64xf32, #tpu.memory_space<hbm>>
    tpu.wait_dma2 semaphore(%arg13 : memref<!tpu.dma_semaphore, #tpu.memory_space<semaphore_mem>>) src(%dma_wait3A_40 : memref<632x64xf32, #tpu.memory_space<hbm>>) dst(%dma_wait3A_38 : memref<632x64xf32, #tpu.memory_space<vmem_shared>>)
    %barrier3A = arith.constant 0 : index
    tpu.barrier barrier_id(%barrier3A)
    %dma_start3A_41 = arith.constant 0 : i32
    %dma_start3A_42 = tpu.memref_slice %arg7[%dma_start3A_41] : memref<10240xi32, #tpu.memory_space<vmem>> -> memref<128xi32, #tpu.memory_space<vmem>>
    %dma_start3A_43 = arith.constant 0 : i32
    %dma_start3A_44 = arith.constant 0 : i32
    %dma_start3A_45 = tpu.memref_slice %arg11[%dma_start3A_43, %dma_start3A_44] : memref<10112x64xf32, #tpu.memory_space<vmem_shared>> -> memref<10112x64xf32, #tpu.memory_space<vmem_shared>>
    tpu.enqueue_indirect_dma source(%dma_start3A_45 : memref<10112x64xf32, #tpu.memory_space<vmem_shared>>) target(%arg9 : memref<128x64xf32, #tpu.memory_space<vmem>>) offsets(%dma_start3A_42 : memref<128xi32, #tpu.memory_space<vmem>>) semaphore(%arg13 : memref<!tpu.dma_semaphore, #tpu.memory_space<semaphore_mem>>)
    %scan3A = arith.constant 0 : i32
    %scan3A_46 = arith.constant 0 : i32
    %scan3A_47 = arith.constant 40 : i32
    %scan3A_48 = arith.addi %scan3A_46, %scan3A_47 : i32
    %scan3A_49 = arith.constant 1 : i32
    scf.for %scan3A_57 = %scan3A_46 to %scan3A_48 step %scan3A_49  : i32 {
      %mul3A_58 = arith.constant 2 : i32
      %mul3A_59 = arith.muli %mul3A_58, %scan3A_57 : i32
      %mul3A_60 = arith.constant 1 : i32
      %mul3A_61 = arith.muli %mul3A_59, %mul3A_60 : i32
      %mul3A_62 = arith.constant 128 : i32
      %mul3A_63 = arith.muli %mul3A_61, %mul3A_62 : i32
      %dma_wait3A_64 = tpu.memref_slice %arg7[%mul3A_63] : memref<10240xi32, #tpu.memory_space<vmem>> -> memref<128xi32, #tpu.memory_space<vmem>>
      %dma_wait3A_65 = arith.constant 0 : i32
      %dma_wait3A_66 = arith.constant 0 : i32
      %dma_wait3A_67 = tpu.memref_slice %arg11[%dma_wait3A_65, %dma_wait3A_66] : memref<10112x64xf32, #tpu.memory_space<vmem_shared>> -> memref<10112x64xf32, #tpu.memory_space<vmem_shared>>
      tpu.wait_indirect_dma semaphore(%arg13 : memref<!tpu.dma_semaphore, #tpu.memory_space<semaphore_mem>>) src(%dma_wait3A_67 : memref<10112x64xf32, #tpu.memory_space<vmem_shared>>) dst(%arg9 : memref<128x64xf32, #tpu.memory_space<vmem>>)
      %add3A_68 = arith.constant 1 : i32
      %add3A_69 = arith.addi %mul3A_59, %add3A_68 : i32
      %mul3A_70 = arith.constant 1 : i32
      %mul3A_71 = arith.muli %add3A_69, %mul3A_70 : i32
      %mul3A_72 = arith.constant 128 : i32
      %mul3A_73 = arith.muli %mul3A_71, %mul3A_72 : i32
      %dma_start3A_74 = tpu.memref_slice %arg7[%mul3A_73] : memref<10240xi32, #tpu.memory_space<vmem>> -> memref<128xi32, #tpu.memory_space<vmem>>
      %dma_start3A_75 = arith.constant 0 : i32
      %dma_start3A_76 = arith.constant 0 : i32
      %dma_start3A_77 = tpu.memref_slice %arg11[%dma_start3A_75, %dma_start3A_76] : memref<10112x64xf32, #tpu.memory_space<vmem_shared>> -> memref<10112x64xf32, #tpu.memory_space<vmem_shared>>
      tpu.enqueue_indirect_dma source(%dma_start3A_77 : memref<10112x64xf32, #tpu.memory_space<vmem_shared>>) target(%arg10 : memref<128x64xf32, #tpu.memory_space<vmem>>) offsets(%dma_start3A_74 : memref<128xi32, #tpu.memory_space<vmem>>) semaphore(%arg14 : memref<!tpu.dma_semaphore, #tpu.memory_space<semaphore_mem>>)
      %mul3A_78 = arith.constant 1 : i32
      %mul3A_79 = arith.muli %mul3A_59, %mul3A_78 : i32
      %mul3A_80 = arith.constant 128 : i32
      %mul3A_81 = arith.muli %mul3A_79, %mul3A_80 : i32
      "tpu.region"() ({
        %run_scoped3A = tpu.sem_alloc : memref<!tpu.dma_semaphore, #tpu.memory_space<semaphore_mem>>
        %dma_start3A_109 = tpu.memref_slice %arg8[%mul3A_81] : memref<10240xi32, #tpu.memory_space<vmem>> -> memref<128xi32, #tpu.memory_space<vmem>>
        %dma_start3A_110 = arith.constant 0 : i32
        %dma_start3A_111 = arith.constant 0 : i32
        %dma_start3A_112 = tpu.memref_slice %arg12[%dma_start3A_110, %dma_start3A_111] : memref<10112x64xf32, #tpu.memory_space<vmem_shared>> -> memref<10112x64xf32, #tpu.memory_space<vmem_shared>>
        tpu.enqueue_indirect_dma source(%arg9 : memref<128x64xf32, #tpu.memory_space<vmem>>) target(%dma_start3A_112 : memref<10112x64xf32, #tpu.memory_space<vmem_shared>>) offsets(%dma_start3A_109 : memref<128xi32, #tpu.memory_space<vmem>>) semaphore(%run_scoped3A : memref<!tpu.dma_semaphore, #tpu.memory_space<semaphore_mem>>) {add = true}
        %dma_wait3A_113 = tpu.memref_slice %arg8[%mul3A_81] : memref<10240xi32, #tpu.memory_space<vmem>> -> memref<128xi32, #tpu.memory_space<vmem>>
        %dma_wait3A_114 = arith.constant 0 : i32
        %dma_wait3A_115 = arith.constant 0 : i32
        %dma_wait3A_116 = tpu.memref_slice %arg12[%dma_wait3A_114, %dma_wait3A_115] : memref<10112x64xf32, #tpu.memory_space<vmem_shared>> -> memref<10112x64xf32, #tpu.memory_space<vmem_shared>>
        tpu.wait_indirect_dma semaphore(%run_scoped3A : memref<!tpu.dma_semaphore, #tpu.memory_space<semaphore_mem>>) src(%arg9 : memref<128x64xf32, #tpu.memory_space<vmem>>) dst(%dma_wait3A_116 : memref<10112x64xf32, #tpu.memory_space<vmem_shared>>)
        tpu.yield
      }) : () -> ()
      %add3A_82 = arith.constant 2 : i32
      %add3A_83 = arith.addi %mul3A_59, %add3A_82 : i32
      %min3A = arith.constant 79 : i32
      %min3A_84 = arith.minsi %add3A_83, %min3A : i32
      %add3A_85 = arith.constant 1 : i32
      %add3A_86 = arith.addi %mul3A_59, %add3A_85 : i32
      %mul3A_87 = arith.constant 1 : i32
      %mul3A_88 = arith.muli %add3A_86, %mul3A_87 : i32
      %mul3A_89 = arith.constant 128 : i32
      %mul3A_90 = arith.muli %mul3A_88, %mul3A_89 : i32
      %dma_wait3A_91 = tpu.memref_slice %arg7[%mul3A_90] : memref<10240xi32, #tpu.memory_space<vmem>> -> memref<128xi32, #tpu.memory_space<vmem>>
      %dma_wait3A_92 = arith.constant 0 : i32
      %dma_wait3A_93 = arith.constant 0 : i32
      %dma_wait3A_94 = tpu.memref_slice %arg11[%dma_wait3A_92, %dma_wait3A_93] : memref<10112x64xf32, #tpu.memory_space<vmem_shared>> -> memref<10112x64xf32, #tpu.memory_space<vmem_shared>>
      tpu.wait_indirect_dma semaphore(%arg14 : memref<!tpu.dma_semaphore, #tpu.memory_space<semaphore_mem>>) src(%dma_wait3A_94 : memref<10112x64xf32, #tpu.memory_space<vmem_shared>>) dst(%arg10 : memref<128x64xf32, #tpu.memory_space<vmem>>)
      %mul3A_95 = arith.constant 1 : i32
      %mul3A_96 = arith.muli %min3A_84, %mul3A_95 : i32
      %mul3A_97 = arith.constant 128 : i32
      %mul3A_98 = arith.muli %mul3A_96, %mul3A_97 : i32
      %dma_start3A_99 = tpu.memref_slice %arg7[%mul3A_98] : memref<10240xi32, #tpu.memory_space<vmem>> -> memref<128xi32, #tpu.memory_space<vmem>>
      %dma_start3A_100 = arith.constant 0 : i32
      %dma_start3A_101 = arith.constant 0 : i32
      %dma_start3A_102 = tpu.memref_slice %arg11[%dma_start3A_100, %dma_start3A_101] : memref<10112x64xf32, #tpu.memory_space<vmem_shared>> -> memref<10112x64xf32, #tpu.memory_space<vmem_shared>>
      tpu.enqueue_indirect_dma source(%dma_start3A_102 : memref<10112x64xf32, #tpu.memory_space<vmem_shared>>) target(%arg9 : memref<128x64xf32, #tpu.memory_space<vmem>>) offsets(%dma_start3A_99 : memref<128xi32, #tpu.memory_space<vmem>>) semaphore(%arg13 : memref<!tpu.dma_semaphore, #tpu.memory_space<semaphore_mem>>)
      %add3A_103 = arith.constant 1 : i32
      %add3A_104 = arith.addi %mul3A_59, %add3A_103 : i32
      %mul3A_105 = arith.constant 1 : i32
      %mul3A_106 = arith.muli %add3A_104, %mul3A_105 : i32
      %mul3A_107 = arith.constant 128 : i32
      %mul3A_108 = arith.muli %mul3A_106, %mul3A_107 : i32
      "tpu.region"() ({
        %run_scoped3A = tpu.sem_alloc : memref<!tpu.dma_semaphore, #tpu.memory_space<semaphore_mem>>
        %dma_start3A_109 = tpu.memref_slice %arg8[%mul3A_108] : memref<10240xi32, #tpu.memory_space<vmem>> -> memref<128xi32, #tpu.memory_space<vmem>>
        %dma_start3A_110 = arith.constant 0 : i32
        %dma_start3A_111 = arith.constant 0 : i32
        %dma_start3A_112 = tpu.memref_slice %arg12[%dma_start3A_110, %dma_start3A_111] : memref<10112x64xf32, #tpu.memory_space<vmem_shared>> -> memref<10112x64xf32, #tpu.memory_space<vmem_shared>>
        tpu.enqueue_indirect_dma source(%arg10 : memref<128x64xf32, #tpu.memory_space<vmem>>) target(%dma_start3A_112 : memref<10112x64xf32, #tpu.memory_space<vmem_shared>>) offsets(%dma_start3A_109 : memref<128xi32, #tpu.memory_space<vmem>>) semaphore(%run_scoped3A : memref<!tpu.dma_semaphore, #tpu.memory_space<semaphore_mem>>) {add = true}
        %dma_wait3A_113 = tpu.memref_slice %arg8[%mul3A_108] : memref<10240xi32, #tpu.memory_space<vmem>> -> memref<128xi32, #tpu.memory_space<vmem>>
        %dma_wait3A_114 = arith.constant 0 : i32
        %dma_wait3A_115 = arith.constant 0 : i32
        %dma_wait3A_116 = tpu.memref_slice %arg12[%dma_wait3A_114, %dma_wait3A_115] : memref<10112x64xf32, #tpu.memory_space<vmem_shared>> -> memref<10112x64xf32, #tpu.memory_space<vmem_shared>>
        tpu.wait_indirect_dma semaphore(%run_scoped3A : memref<!tpu.dma_semaphore, #tpu.memory_space<semaphore_mem>>) src(%arg10 : memref<128x64xf32, #tpu.memory_space<vmem>>) dst(%dma_wait3A_116 : memref<10112x64xf32, #tpu.memory_space<vmem_shared>>)
        tpu.yield
      }) : () -> ()
    }
    %scan3A_50 = arith.constant 40 : i32
    %dma_wait3A_51 = arith.constant 10112 : i32
    %dma_wait3A_52 = tpu.memref_slice %arg7[%dma_wait3A_51] : memref<10240xi32, #tpu.memory_space<vmem>> -> memref<128xi32, #tpu.memory_space<vmem>>
    %dma_wait3A_53 = arith.constant 0 : i32
    %dma_wait3A_54 = arith.constant 0 : i32
    %dma_wait3A_55 = tpu.memref_slice %arg11[%dma_wait3A_53, %dma_wait3A_54] : memref<10112x64xf32, #tpu.memory_space<vmem_shared>> -> memref<10112x64xf32, #tpu.memory_space<vmem_shared>>
    tpu.wait_indirect_dma semaphore(%arg13 : memref<!tpu.dma_semaphore, #tpu.memory_space<semaphore_mem>>) src(%dma_wait3A_55 : memref<10112x64xf32, #tpu.memory_space<vmem_shared>>) dst(%arg9 : memref<128x64xf32, #tpu.memory_space<vmem>>)
    %barrier3A_56 = arith.constant 0 : index
    tpu.barrier barrier_id(%barrier3A_56)
    "tpu.region"() ({
      %run_scoped3A = tpu.sem_alloc : memref<!tpu.dma_semaphore, #tpu.memory_space<semaphore_mem>>
      %dma_start3A_57 = arith.constant 0 : i32
      %dma_start3A_58 = tpu.memref_slice %arg6[%arg0, %mul3A_2, %dma_start3A_57] : memref<2x10112x64xf32, #tpu.memory_space<hbm>> -> memref<1x632x64xf32, #tpu.memory_space<hbm>>
      %dma_start3A_59 = tpu.memref_squeeze %dma_start3A_58 : memref<1x632x64xf32, #tpu.memory_space<hbm>> -> memref<632x64xf32, #tpu.memory_space<hbm>>
      %dma_start3A_60 = arith.constant 0 : i32
      %dma_start3A_61 = tpu.memref_slice %arg12[%mul3A_2, %dma_start3A_60] : memref<10112x64xf32, #tpu.memory_space<vmem_shared>> -> memref<632x64xf32, #tpu.memory_space<vmem_shared>>
      tpu.enqueue_dma source(%dma_start3A_61 : memref<632x64xf32, #tpu.memory_space<vmem_shared>>) target(%dma_start3A_59 : memref<632x64xf32, #tpu.memory_space<hbm>>) target_semaphore(%run_scoped3A : memref<!tpu.dma_semaphore, #tpu.memory_space<semaphore_mem>>)
      %dma_wait3A_62 = arith.constant 0 : i32
      %dma_wait3A_63 = tpu.memref_slice %arg6[%arg0, %mul3A_2, %dma_wait3A_62] : memref<2x10112x64xf32, #tpu.memory_space<hbm>> -> memref<1x632x64xf32, #tpu.memory_space<hbm>>
      %dma_wait3A_64 = tpu.memref_squeeze %dma_wait3A_63 : memref<1x632x64xf32, #tpu.memory_space<hbm>> -> memref<632x64xf32, #tpu.memory_space<hbm>>
      %dma_wait3A_65 = arith.constant 0 : i32
      %dma_wait3A_66 = tpu.memref_slice %arg12[%mul3A_2, %dma_wait3A_65] : memref<10112x64xf32, #tpu.memory_space<vmem_shared>> -> memref<632x64xf32, #tpu.memory_space<vmem_shared>>
      tpu.wait_dma2 semaphore(%run_scoped3A : memref<!tpu.dma_semaphore, #tpu.memory_space<semaphore_mem>>) src(%dma_wait3A_66 : memref<632x64xf32, #tpu.memory_space<vmem_shared>>) dst(%dma_wait3A_64 : memref<632x64xf32, #tpu.memory_space<hbm>>)
      tpu.yield
    }) : () -> ()
    return
  }
}

#map = affine_map<(d0, d1) -> (0, 0, 0)>
#map1 = affine_map<(d0, d1) -> (0, 0)>
module attributes {stable_mosaic.version = 14 : i64} {
  func.func @_deg_kernel(%arg0: i32, %arg1: i32, %arg2: memref<32x80x128xi32, #tpu.memory_space<hbm>>, %arg3: memref<128x16xf32, #tpu.memory_space<hbm>>, %arg4: memref<10112x16xf32, #tpu.memory_space<hbm>>, %arg5: memref<2x10112x16xf32, #tpu.memory_space<hbm>>, %arg6: memref<80x128xi32, #tpu.memory_space<vmem>>, %arg7: memref<128x16xf32, #tpu.memory_space<vmem>>, %arg8: memref<10112x16xf32, #tpu.memory_space<vmem_shared>>, %arg9: memref<!tpu.dma_semaphore, #tpu.memory_space<semaphore_mem>>) attributes {dimension_semantics = [#tpu.dimension_semantics<core_parallel>, #tpu.dimension_semantics<subcore_parallel>], iteration_bounds = array<i64: 2, 16>, scalar_prefetch = 0 : i64, scratch_operands = 4 : i64, tpu.core_type = #tpu.core_type<sc_vector_subcore>, window_params = [{transform_indices = #map}, {transform_indices = #map1}, {transform_indices = #map1}, {transform_indices = #map}]} {
    %mul3A = arith.constant 16 : i32
    %mul3A_0 = arith.muli %arg0, %mul3A : i32
    %add3A = arith.addi %mul3A_0, %arg1 : i32
    %mul3A_1 = arith.constant 632 : i32
    %mul3A_2 = arith.muli %arg1, %mul3A_1 : i32
    "tpu.region"() ({
      %run_scoped3A = tpu.sem_alloc : memref<!tpu.dma_semaphore, #tpu.memory_space<semaphore_mem>>
      %dma_start3A = arith.constant 0 : i32
      %dma_start3A_9 = arith.constant 0 : i32
      %dma_start3A_10 = tpu.memref_slice %arg2[%add3A, %dma_start3A, %dma_start3A_9] : memref<32x80x128xi32, #tpu.memory_space<hbm>> -> memref<1x80x128xi32, #tpu.memory_space<hbm>>
      %dma_start3A_11 = tpu.memref_squeeze %dma_start3A_10 : memref<1x80x128xi32, #tpu.memory_space<hbm>> -> memref<80x128xi32, #tpu.memory_space<hbm>>
      %dma_start3A_12 = arith.constant 0 : i32
      %dma_start3A_13 = arith.constant 0 : i32
      %dma_start3A_14 = tpu.memref_slice %arg2[%add3A, %dma_start3A_12, %dma_start3A_13] : memref<32x80x128xi32, #tpu.memory_space<hbm>> -> memref<1x80x128xi32, #tpu.memory_space<hbm>>
      %dma_start3A_15 = tpu.memref_squeeze %dma_start3A_14 : memref<1x80x128xi32, #tpu.memory_space<hbm>> -> memref<80x128xi32, #tpu.memory_space<hbm>>
      tpu.enqueue_dma source(%dma_start3A_15 : memref<80x128xi32, #tpu.memory_space<hbm>>) target(%arg6 : memref<80x128xi32, #tpu.memory_space<vmem>>) target_semaphore(%run_scoped3A : memref<!tpu.dma_semaphore, #tpu.memory_space<semaphore_mem>>)
      %dma_wait3A = arith.constant 0 : i32
      %dma_wait3A_16 = arith.constant 0 : i32
      %dma_wait3A_17 = tpu.memref_slice %arg2[%add3A, %dma_wait3A, %dma_wait3A_16] : memref<32x80x128xi32, #tpu.memory_space<hbm>> -> memref<1x80x128xi32, #tpu.memory_space<hbm>>
      %dma_wait3A_18 = tpu.memref_squeeze %dma_wait3A_17 : memref<1x80x128xi32, #tpu.memory_space<hbm>> -> memref<80x128xi32, #tpu.memory_space<hbm>>
      %dma_wait3A_19 = arith.constant 0 : i32
      %dma_wait3A_20 = arith.constant 0 : i32
      %dma_wait3A_21 = tpu.memref_slice %arg2[%add3A, %dma_wait3A_19, %dma_wait3A_20] : memref<32x80x128xi32, #tpu.memory_space<hbm>> -> memref<1x80x128xi32, #tpu.memory_space<hbm>>
      %dma_wait3A_22 = tpu.memref_squeeze %dma_wait3A_21 : memref<1x80x128xi32, #tpu.memory_space<hbm>> -> memref<80x128xi32, #tpu.memory_space<hbm>>
      tpu.wait_dma2 semaphore(%run_scoped3A : memref<!tpu.dma_semaphore, #tpu.memory_space<semaphore_mem>>) src(%dma_wait3A_22 : memref<80x128xi32, #tpu.memory_space<hbm>>) dst(%arg6 : memref<80x128xi32, #tpu.memory_space<vmem>>)
      tpu.yield
    }) : () -> ()
    "tpu.region"() ({
      %run_scoped3A = tpu.sem_alloc : memref<!tpu.dma_semaphore, #tpu.memory_space<semaphore_mem>>
      tpu.enqueue_dma source(%arg3 : memref<128x16xf32, #tpu.memory_space<hbm>>) target(%arg7 : memref<128x16xf32, #tpu.memory_space<vmem>>) target_semaphore(%run_scoped3A : memref<!tpu.dma_semaphore, #tpu.memory_space<semaphore_mem>>)
      tpu.wait_dma2 semaphore(%run_scoped3A : memref<!tpu.dma_semaphore, #tpu.memory_space<semaphore_mem>>) src(%arg3 : memref<128x16xf32, #tpu.memory_space<hbm>>) dst(%arg7 : memref<128x16xf32, #tpu.memory_space<vmem>>)
      tpu.yield
    }) : () -> ()
    "tpu.region"() ({
      %run_scoped3A = tpu.sem_alloc : memref<!tpu.dma_semaphore, #tpu.memory_space<semaphore_mem>>
      %dma_start3A = arith.constant 0 : i32
      %dma_start3A_9 = tpu.memref_slice %arg8[%mul3A_2, %dma_start3A] : memref<10112x16xf32, #tpu.memory_space<vmem_shared>> -> memref<632x16xf32, #tpu.memory_space<vmem_shared>>
      %dma_start3A_10 = arith.constant 0 : i32
      %dma_start3A_11 = tpu.memref_slice %arg4[%mul3A_2, %dma_start3A_10] : memref<10112x16xf32, #tpu.memory_space<hbm>> -> memref<632x16xf32, #tpu.memory_space<hbm>>
      tpu.enqueue_dma source(%dma_start3A_11 : memref<632x16xf32, #tpu.memory_space<hbm>>) target(%dma_start3A_9 : memref<632x16xf32, #tpu.memory_space<vmem_shared>>) target_semaphore(%run_scoped3A : memref<!tpu.dma_semaphore, #tpu.memory_space<semaphore_mem>>)
      %dma_wait3A = arith.constant 0 : i32
      %dma_wait3A_12 = tpu.memref_slice %arg8[%mul3A_2, %dma_wait3A] : memref<10112x16xf32, #tpu.memory_space<vmem_shared>> -> memref<632x16xf32, #tpu.memory_space<vmem_shared>>
      %dma_wait3A_13 = arith.constant 0 : i32
      %dma_wait3A_14 = tpu.memref_slice %arg4[%mul3A_2, %dma_wait3A_13] : memref<10112x16xf32, #tpu.memory_space<hbm>> -> memref<632x16xf32, #tpu.memory_space<hbm>>
      tpu.wait_dma2 semaphore(%run_scoped3A : memref<!tpu.dma_semaphore, #tpu.memory_space<semaphore_mem>>) src(%dma_wait3A_14 : memref<632x16xf32, #tpu.memory_space<hbm>>) dst(%dma_wait3A_12 : memref<632x16xf32, #tpu.memory_space<vmem_shared>>)
      tpu.yield
    }) : () -> ()
    %barrier3A = arith.constant 0 : index
    tpu.barrier barrier_id(%barrier3A)
    %scan3A = arith.constant 0 : i32
    %scan3A_3 = arith.constant 0 : i32
    %scan3A_4 = arith.constant 80 : i32
    %scan3A_5 = arith.addi %scan3A_3, %scan3A_4 : i32
    %scan3A_6 = arith.constant 1 : i32
    scf.for %scan3A_9 = %scan3A_3 to %scan3A_5 step %scan3A_6  : i32 {
      "tpu.region"() ({
        %run_scoped3A = tpu.sem_alloc : memref<!tpu.dma_semaphore, #tpu.memory_space<semaphore_mem>>
        %dma_start3A = arith.constant 0 : i32
        %dma_start3A_10 = tpu.memref_slice %arg6[%scan3A_9, %dma_start3A] : memref<80x128xi32, #tpu.memory_space<vmem>> -> memref<1x128xi32, #tpu.memory_space<vmem>>
        %dma_start3A_11 = tpu.memref_squeeze %dma_start3A_10 : memref<1x128xi32, #tpu.memory_space<vmem>> -> memref<128xi32, #tpu.memory_space<vmem>>
        %dma_start3A_12 = arith.constant 0 : i32
        %dma_start3A_13 = arith.constant 0 : i32
        %dma_start3A_14 = tpu.memref_slice %arg8[%dma_start3A_12, %dma_start3A_13] : memref<10112x16xf32, #tpu.memory_space<vmem_shared>> -> memref<10112x16xf32, #tpu.memory_space<vmem_shared>>
        tpu.enqueue_indirect_dma source(%arg7 : memref<128x16xf32, #tpu.memory_space<vmem>>) target(%dma_start3A_14 : memref<10112x16xf32, #tpu.memory_space<vmem_shared>>) offsets(%dma_start3A_11 : memref<128xi32, #tpu.memory_space<vmem>>) semaphore(%run_scoped3A : memref<!tpu.dma_semaphore, #tpu.memory_space<semaphore_mem>>) {add = true}
        %dma_wait3A = arith.constant 0 : i32
        %dma_wait3A_15 = tpu.memref_slice %arg6[%scan3A_9, %dma_wait3A] : memref<80x128xi32, #tpu.memory_space<vmem>> -> memref<1x128xi32, #tpu.memory_space<vmem>>
        %dma_wait3A_16 = tpu.memref_squeeze %dma_wait3A_15 : memref<1x128xi32, #tpu.memory_space<vmem>> -> memref<128xi32, #tpu.memory_space<vmem>>
        %dma_wait3A_17 = arith.constant 0 : i32
        %dma_wait3A_18 = arith.constant 0 : i32
        %dma_wait3A_19 = tpu.memref_slice %arg8[%dma_wait3A_17, %dma_wait3A_18] : memref<10112x16xf32, #tpu.memory_space<vmem_shared>> -> memref<10112x16xf32, #tpu.memory_space<vmem_shared>>
        tpu.wait_indirect_dma semaphore(%run_scoped3A : memref<!tpu.dma_semaphore, #tpu.memory_space<semaphore_mem>>) src(%arg7 : memref<128x16xf32, #tpu.memory_space<vmem>>) dst(%dma_wait3A_19 : memref<10112x16xf32, #tpu.memory_space<vmem_shared>>)
        tpu.yield
      }) : () -> ()
    }
    %scan3A_7 = arith.constant 80 : i32
    %barrier3A_8 = arith.constant 0 : index
    tpu.barrier barrier_id(%barrier3A_8)
    "tpu.region"() ({
      %run_scoped3A = tpu.sem_alloc : memref<!tpu.dma_semaphore, #tpu.memory_space<semaphore_mem>>
      %dma_start3A = arith.constant 0 : i32
      %dma_start3A_9 = tpu.memref_slice %arg5[%arg0, %mul3A_2, %dma_start3A] : memref<2x10112x16xf32, #tpu.memory_space<hbm>> -> memref<1x632x16xf32, #tpu.memory_space<hbm>>
      %dma_start3A_10 = tpu.memref_squeeze %dma_start3A_9 : memref<1x632x16xf32, #tpu.memory_space<hbm>> -> memref<632x16xf32, #tpu.memory_space<hbm>>
      %dma_start3A_11 = arith.constant 0 : i32
      %dma_start3A_12 = tpu.memref_slice %arg8[%mul3A_2, %dma_start3A_11] : memref<10112x16xf32, #tpu.memory_space<vmem_shared>> -> memref<632x16xf32, #tpu.memory_space<vmem_shared>>
      tpu.enqueue_dma source(%dma_start3A_12 : memref<632x16xf32, #tpu.memory_space<vmem_shared>>) target(%dma_start3A_10 : memref<632x16xf32, #tpu.memory_space<hbm>>) target_semaphore(%run_scoped3A : memref<!tpu.dma_semaphore, #tpu.memory_space<semaphore_mem>>)
      %dma_wait3A = arith.constant 0 : i32
      %dma_wait3A_13 = tpu.memref_slice %arg5[%arg0, %mul3A_2, %dma_wait3A] : memref<2x10112x16xf32, #tpu.memory_space<hbm>> -> memref<1x632x16xf32, #tpu.memory_space<hbm>>
      %dma_wait3A_14 = tpu.memref_squeeze %dma_wait3A_13 : memref<1x632x16xf32, #tpu.memory_space<hbm>> -> memref<632x16xf32, #tpu.memory_space<hbm>>
      %dma_wait3A_15 = arith.constant 0 : i32
      %dma_wait3A_16 = tpu.memref_slice %arg8[%mul3A_2, %dma_wait3A_15] : memref<10112x16xf32, #tpu.memory_space<vmem_shared>> -> memref<632x16xf32, #tpu.memory_space<vmem_shared>>
      tpu.wait_dma2 semaphore(%run_scoped3A : memref<!tpu.dma_semaphore, #tpu.memory_space<semaphore_mem>>) src(%dma_wait3A_16 : memref<632x16xf32, #tpu.memory_space<vmem_shared>>) dst(%dma_wait3A_14 : memref<632x16xf32, #tpu.memory_space<hbm>>)
      tpu.yield
    }) : () -> ()
    return
  }
}

#map = affine_map<(d0, d1) -> (0, 0)>
#map1 = affine_map<(d0, d1) -> (0, 0, 0)>
module attributes {stable_mosaic.version = 14 : i64} {
  func.func @_mp_kernel(%arg0: i32, %arg1: i32, %arg2: memref<10112x64xf32, #tpu.memory_space<hbm>>, %arg3: memref<32x10240xi32, #tpu.memory_space<hbm>>, %arg4: memref<32x10240xi32, #tpu.memory_space<hbm>>, %arg5: memref<10112x64xf32, #tpu.memory_space<hbm>>, %arg6: memref<2x10112x64xf32, #tpu.memory_space<hbm>>, %arg7: memref<10240xi32, #tpu.memory_space<vmem>>, %arg8: memref<10240xi32, #tpu.memory_space<vmem>>, %arg9: memref<128x64xf32, #tpu.memory_space<vmem>>, %arg10: memref<128x64xf32, #tpu.memory_space<vmem>>, %arg11: memref<10112x64xf32, #tpu.memory_space<vmem_shared>>, %arg12: memref<10112x64xf32, #tpu.memory_space<vmem_shared>>, %arg13: memref<!tpu.dma_semaphore, #tpu.memory_space<semaphore_mem>>, %arg14: memref<!tpu.dma_semaphore, #tpu.memory_space<semaphore_mem>>) attributes {dimension_semantics = [#tpu.dimension_semantics<core_parallel>, #tpu.dimension_semantics<subcore_parallel>], iteration_bounds = array<i64: 2, 16>, scalar_prefetch = 0 : i64, scratch_operands = 8 : i64, tpu.core_type = #tpu.core_type<sc_vector_subcore>, window_params = [{transform_indices = #map}, {transform_indices = #map}, {transform_indices = #map}, {transform_indices = #map}, {transform_indices = #map1}]} {
    %mul3A = arith.constant 16 : i32
    %mul3A_0 = arith.muli %arg0, %mul3A : i32
    %add3A = arith.addi %mul3A_0, %arg1 : i32
    %mul3A_1 = arith.constant 632 : i32
    %mul3A_2 = arith.muli %arg1, %mul3A_1 : i32
    %dma_start3A = arith.constant 0 : i32
    %dma_start3A_3 = tpu.memref_slice %arg3[%add3A, %dma_start3A] : memref<32x10240xi32, #tpu.memory_space<hbm>> -> memref<1x10240xi32, #tpu.memory_space<hbm>>
    %dma_start3A_4 = tpu.memref_squeeze %dma_start3A_3 : memref<1x10240xi32, #tpu.memory_space<hbm>> -> memref<10240xi32, #tpu.memory_space<hbm>>
    %dma_start3A_5 = arith.constant 0 : i32
    %dma_start3A_6 = tpu.memref_slice %arg3[%add3A, %dma_start3A_5] : memref<32x10240xi32, #tpu.memory_space<hbm>> -> memref<1x10240xi32, #tpu.memory_space<hbm>>
    %dma_start3A_7 = tpu.memref_squeeze %dma_start3A_6 : memref<1x10240xi32, #tpu.memory_space<hbm>> -> memref<10240xi32, #tpu.memory_space<hbm>>
    tpu.enqueue_dma source(%dma_start3A_7 : memref<10240xi32, #tpu.memory_space<hbm>>) target(%arg7 : memref<10240xi32, #tpu.memory_space<vmem>>) target_semaphore(%arg13 : memref<!tpu.dma_semaphore, #tpu.memory_space<semaphore_mem>>)
    %dma_start3A_8 = arith.constant 0 : i32
    %dma_start3A_9 = tpu.memref_slice %arg4[%add3A, %dma_start3A_8] : memref<32x10240xi32, #tpu.memory_space<hbm>> -> memref<1x10240xi32, #tpu.memory_space<hbm>>
    %dma_start3A_10 = tpu.memref_squeeze %dma_start3A_9 : memref<1x10240xi32, #tpu.memory_space<hbm>> -> memref<10240xi32, #tpu.memory_space<hbm>>
    %dma_start3A_11 = arith.constant 0 : i32
    %dma_start3A_12 = tpu.memref_slice %arg4[%add3A, %dma_start3A_11] : memref<32x10240xi32, #tpu.memory_space<hbm>> -> memref<1x10240xi32, #tpu.memory_space<hbm>>
    %dma_start3A_13 = tpu.memref_squeeze %dma_start3A_12 : memref<1x10240xi32, #tpu.memory_space<hbm>> -> memref<10240xi32, #tpu.memory_space<hbm>>
    tpu.enqueue_dma source(%dma_start3A_13 : memref<10240xi32, #tpu.memory_space<hbm>>) target(%arg8 : memref<10240xi32, #tpu.memory_space<vmem>>) target_semaphore(%arg13 : memref<!tpu.dma_semaphore, #tpu.memory_space<semaphore_mem>>)
    %dma_start3A_14 = arith.constant 0 : i32
    %dma_start3A_15 = tpu.memref_slice %arg11[%mul3A_2, %dma_start3A_14] : memref<10112x64xf32, #tpu.memory_space<vmem_shared>> -> memref<632x64xf32, #tpu.memory_space<vmem_shared>>
    %dma_start3A_16 = arith.constant 0 : i32
    %dma_start3A_17 = tpu.memref_slice %arg2[%mul3A_2, %dma_start3A_16] : memref<10112x64xf32, #tpu.memory_space<hbm>> -> memref<632x64xf32, #tpu.memory_space<hbm>>
    tpu.enqueue_dma source(%dma_start3A_17 : memref<632x64xf32, #tpu.memory_space<hbm>>) target(%dma_start3A_15 : memref<632x64xf32, #tpu.memory_space<vmem_shared>>) target_semaphore(%arg13 : memref<!tpu.dma_semaphore, #tpu.memory_space<semaphore_mem>>)
    %dma_start3A_18 = arith.constant 0 : i32
    %dma_start3A_19 = tpu.memref_slice %arg12[%mul3A_2, %dma_start3A_18] : memref<10112x64xf32, #tpu.memory_space<vmem_shared>> -> memref<632x64xf32, #tpu.memory_space<vmem_shared>>
    %dma_start3A_20 = arith.constant 0 : i32
    %dma_start3A_21 = tpu.memref_slice %arg5[%mul3A_2, %dma_start3A_20] : memref<10112x64xf32, #tpu.memory_space<hbm>> -> memref<632x64xf32, #tpu.memory_space<hbm>>
    tpu.enqueue_dma source(%dma_start3A_21 : memref<632x64xf32, #tpu.memory_space<hbm>>) target(%dma_start3A_19 : memref<632x64xf32, #tpu.memory_space<vmem_shared>>) target_semaphore(%arg13 : memref<!tpu.dma_semaphore, #tpu.memory_space<semaphore_mem>>)
    %dma_wait3A = arith.constant 0 : i32
    %dma_wait3A_22 = tpu.memref_slice %arg3[%add3A, %dma_wait3A] : memref<32x10240xi32, #tpu.memory_space<hbm>> -> memref<1x10240xi32, #tpu.memory_space<hbm>>
    %dma_wait3A_23 = tpu.memref_squeeze %dma_wait3A_22 : memref<1x10240xi32, #tpu.memory_space<hbm>> -> memref<10240xi32, #tpu.memory_space<hbm>>
    %dma_wait3A_24 = arith.constant 0 : i32
    %dma_wait3A_25 = tpu.memref_slice %arg3[%add3A, %dma_wait3A_24] : memref<32x10240xi32, #tpu.memory_space<hbm>> -> memref<1x10240xi32, #tpu.memory_space<hbm>>
    %dma_wait3A_26 = tpu.memref_squeeze %dma_wait3A_25 : memref<1x10240xi32, #tpu.memory_space<hbm>> -> memref<10240xi32, #tpu.memory_space<hbm>>
    tpu.wait_dma2 semaphore(%arg13 : memref<!tpu.dma_semaphore, #tpu.memory_space<semaphore_mem>>) src(%dma_wait3A_26 : memref<10240xi32, #tpu.memory_space<hbm>>) dst(%arg7 : memref<10240xi32, #tpu.memory_space<vmem>>)
    %dma_wait3A_27 = arith.constant 0 : i32
    %dma_wait3A_28 = tpu.memref_slice %arg4[%add3A, %dma_wait3A_27] : memref<32x10240xi32, #tpu.memory_space<hbm>> -> memref<1x10240xi32, #tpu.memory_space<hbm>>
    %dma_wait3A_29 = tpu.memref_squeeze %dma_wait3A_28 : memref<1x10240xi32, #tpu.memory_space<hbm>> -> memref<10240xi32, #tpu.memory_space<hbm>>
    %dma_wait3A_30 = arith.constant 0 : i32
    %dma_wait3A_31 = tpu.memref_slice %arg4[%add3A, %dma_wait3A_30] : memref<32x10240xi32, #tpu.memory_space<hbm>> -> memref<1x10240xi32, #tpu.memory_space<hbm>>
    %dma_wait3A_32 = tpu.memref_squeeze %dma_wait3A_31 : memref<1x10240xi32, #tpu.memory_space<hbm>> -> memref<10240xi32, #tpu.memory_space<hbm>>
    tpu.wait_dma2 semaphore(%arg13 : memref<!tpu.dma_semaphore, #tpu.memory_space<semaphore_mem>>) src(%dma_wait3A_32 : memref<10240xi32, #tpu.memory_space<hbm>>) dst(%arg8 : memref<10240xi32, #tpu.memory_space<vmem>>)
    %dma_wait3A_33 = arith.constant 0 : i32
    %dma_wait3A_34 = tpu.memref_slice %arg11[%mul3A_2, %dma_wait3A_33] : memref<10112x64xf32, #tpu.memory_space<vmem_shared>> -> memref<632x64xf32, #tpu.memory_space<vmem_shared>>
    %dma_wait3A_35 = arith.constant 0 : i32
    %dma_wait3A_36 = tpu.memref_slice %arg2[%mul3A_2, %dma_wait3A_35] : memref<10112x64xf32, #tpu.memory_space<hbm>> -> memref<632x64xf32, #tpu.memory_space<hbm>>
    tpu.wait_dma2 semaphore(%arg13 : memref<!tpu.dma_semaphore, #tpu.memory_space<semaphore_mem>>) src(%dma_wait3A_36 : memref<632x64xf32, #tpu.memory_space<hbm>>) dst(%dma_wait3A_34 : memref<632x64xf32, #tpu.memory_space<vmem_shared>>)
    %dma_wait3A_37 = arith.constant 0 : i32
    %dma_wait3A_38 = tpu.memref_slice %arg12[%mul3A_2, %dma_wait3A_37] : memref<10112x64xf32, #tpu.memory_space<vmem_shared>> -> memref<632x64xf32, #tpu.memory_space<vmem_shared>>
    %dma_wait3A_39 = arith.constant 0 : i32
    %dma_wait3A_40 = tpu.memref_slice %arg5[%mul3A_2, %dma_wait3A_39] : memref<10112x64xf32, #tpu.memory_space<hbm>> -> memref<632x64xf32, #tpu.memory_space<hbm>>
    tpu.wait_dma2 semaphore(%arg13 : memref<!tpu.dma_semaphore, #tpu.memory_space<semaphore_mem>>) src(%dma_wait3A_40 : memref<632x64xf32, #tpu.memory_space<hbm>>) dst(%dma_wait3A_38 : memref<632x64xf32, #tpu.memory_space<vmem_shared>>)
    %barrier3A = arith.constant 0 : index
    tpu.barrier barrier_id(%barrier3A)
    %dma_start3A_41 = arith.constant 0 : i32
    %dma_start3A_42 = tpu.memref_slice %arg7[%dma_start3A_41] : memref<10240xi32, #tpu.memory_space<vmem>> -> memref<128xi32, #tpu.memory_space<vmem>>
    %dma_start3A_43 = arith.constant 0 : i32
    %dma_start3A_44 = arith.constant 0 : i32
    %dma_start3A_45 = tpu.memref_slice %arg11[%dma_start3A_43, %dma_start3A_44] : memref<10112x64xf32, #tpu.memory_space<vmem_shared>> -> memref<10112x64xf32, #tpu.memory_space<vmem_shared>>
    tpu.enqueue_indirect_dma source(%dma_start3A_45 : memref<10112x64xf32, #tpu.memory_space<vmem_shared>>) target(%arg9 : memref<128x64xf32, #tpu.memory_space<vmem>>) offsets(%dma_start3A_42 : memref<128xi32, #tpu.memory_space<vmem>>) semaphore(%arg13 : memref<!tpu.dma_semaphore, #tpu.memory_space<semaphore_mem>>)
    %scan3A = arith.constant 0 : i32
    %scan3A_46 = arith.constant 0 : i32
    %scan3A_47 = arith.constant 40 : i32
    %scan3A_48 = arith.addi %scan3A_46, %scan3A_47 : i32
    %scan3A_49 = arith.constant 1 : i32
    scf.for %scan3A_57 = %scan3A_46 to %scan3A_48 step %scan3A_49  : i32 {
      %mul3A_58 = arith.constant 2 : i32
      %mul3A_59 = arith.muli %mul3A_58, %scan3A_57 : i32
      %mul3A_60 = arith.constant 1 : i32
      %mul3A_61 = arith.muli %mul3A_59, %mul3A_60 : i32
      %mul3A_62 = arith.constant 128 : i32
      %mul3A_63 = arith.muli %mul3A_61, %mul3A_62 : i32
      %dma_wait3A_64 = tpu.memref_slice %arg7[%mul3A_63] : memref<10240xi32, #tpu.memory_space<vmem>> -> memref<128xi32, #tpu.memory_space<vmem>>
      %dma_wait3A_65 = arith.constant 0 : i32
      %dma_wait3A_66 = arith.constant 0 : i32
      %dma_wait3A_67 = tpu.memref_slice %arg11[%dma_wait3A_65, %dma_wait3A_66] : memref<10112x64xf32, #tpu.memory_space<vmem_shared>> -> memref<10112x64xf32, #tpu.memory_space<vmem_shared>>
      tpu.wait_indirect_dma semaphore(%arg13 : memref<!tpu.dma_semaphore, #tpu.memory_space<semaphore_mem>>) src(%dma_wait3A_67 : memref<10112x64xf32, #tpu.memory_space<vmem_shared>>) dst(%arg9 : memref<128x64xf32, #tpu.memory_space<vmem>>)
      %add3A_68 = arith.constant 1 : i32
      %add3A_69 = arith.addi %mul3A_59, %add3A_68 : i32
      %mul3A_70 = arith.constant 1 : i32
      %mul3A_71 = arith.muli %add3A_69, %mul3A_70 : i32
      %mul3A_72 = arith.constant 128 : i32
      %mul3A_73 = arith.muli %mul3A_71, %mul3A_72 : i32
      %dma_start3A_74 = tpu.memref_slice %arg7[%mul3A_73] : memref<10240xi32, #tpu.memory_space<vmem>> -> memref<128xi32, #tpu.memory_space<vmem>>
      %dma_start3A_75 = arith.constant 0 : i32
      %dma_start3A_76 = arith.constant 0 : i32
      %dma_start3A_77 = tpu.memref_slice %arg11[%dma_start3A_75, %dma_start3A_76] : memref<10112x64xf32, #tpu.memory_space<vmem_shared>> -> memref<10112x64xf32, #tpu.memory_space<vmem_shared>>
      tpu.enqueue_indirect_dma source(%dma_start3A_77 : memref<10112x64xf32, #tpu.memory_space<vmem_shared>>) target(%arg10 : memref<128x64xf32, #tpu.memory_space<vmem>>) offsets(%dma_start3A_74 : memref<128xi32, #tpu.memory_space<vmem>>) semaphore(%arg14 : memref<!tpu.dma_semaphore, #tpu.memory_space<semaphore_mem>>)
      %mul3A_78 = arith.constant 1 : i32
      %mul3A_79 = arith.muli %mul3A_59, %mul3A_78 : i32
      %mul3A_80 = arith.constant 128 : i32
      %mul3A_81 = arith.muli %mul3A_79, %mul3A_80 : i32
      "tpu.region"() ({
        %run_scoped3A = tpu.sem_alloc : memref<!tpu.dma_semaphore, #tpu.memory_space<semaphore_mem>>
        %dma_start3A_109 = tpu.memref_slice %arg8[%mul3A_81] : memref<10240xi32, #tpu.memory_space<vmem>> -> memref<128xi32, #tpu.memory_space<vmem>>
        %dma_start3A_110 = arith.constant 0 : i32
        %dma_start3A_111 = arith.constant 0 : i32
        %dma_start3A_112 = tpu.memref_slice %arg12[%dma_start3A_110, %dma_start3A_111] : memref<10112x64xf32, #tpu.memory_space<vmem_shared>> -> memref<10112x64xf32, #tpu.memory_space<vmem_shared>>
        tpu.enqueue_indirect_dma source(%arg9 : memref<128x64xf32, #tpu.memory_space<vmem>>) target(%dma_start3A_112 : memref<10112x64xf32, #tpu.memory_space<vmem_shared>>) offsets(%dma_start3A_109 : memref<128xi32, #tpu.memory_space<vmem>>) semaphore(%run_scoped3A : memref<!tpu.dma_semaphore, #tpu.memory_space<semaphore_mem>>) {add = true}
        %dma_wait3A_113 = tpu.memref_slice %arg8[%mul3A_81] : memref<10240xi32, #tpu.memory_space<vmem>> -> memref<128xi32, #tpu.memory_space<vmem>>
        %dma_wait3A_114 = arith.constant 0 : i32
        %dma_wait3A_115 = arith.constant 0 : i32
        %dma_wait3A_116 = tpu.memref_slice %arg12[%dma_wait3A_114, %dma_wait3A_115] : memref<10112x64xf32, #tpu.memory_space<vmem_shared>> -> memref<10112x64xf32, #tpu.memory_space<vmem_shared>>
        tpu.wait_indirect_dma semaphore(%run_scoped3A : memref<!tpu.dma_semaphore, #tpu.memory_space<semaphore_mem>>) src(%arg9 : memref<128x64xf32, #tpu.memory_space<vmem>>) dst(%dma_wait3A_116 : memref<10112x64xf32, #tpu.memory_space<vmem_shared>>)
        tpu.yield
      }) : () -> ()
      %add3A_82 = arith.constant 2 : i32
      %add3A_83 = arith.addi %mul3A_59, %add3A_82 : i32
      %min3A = arith.constant 79 : i32
      %min3A_84 = arith.minsi %add3A_83, %min3A : i32
      %add3A_85 = arith.constant 1 : i32
      %add3A_86 = arith.addi %mul3A_59, %add3A_85 : i32
      %mul3A_87 = arith.constant 1 : i32
      %mul3A_88 = arith.muli %add3A_86, %mul3A_87 : i32
      %mul3A_89 = arith.constant 128 : i32
      %mul3A_90 = arith.muli %mul3A_88, %mul3A_89 : i32
      %dma_wait3A_91 = tpu.memref_slice %arg7[%mul3A_90] : memref<10240xi32, #tpu.memory_space<vmem>> -> memref<128xi32, #tpu.memory_space<vmem>>
      %dma_wait3A_92 = arith.constant 0 : i32
      %dma_wait3A_93 = arith.constant 0 : i32
      %dma_wait3A_94 = tpu.memref_slice %arg11[%dma_wait3A_92, %dma_wait3A_93] : memref<10112x64xf32, #tpu.memory_space<vmem_shared>> -> memref<10112x64xf32, #tpu.memory_space<vmem_shared>>
      tpu.wait_indirect_dma semaphore(%arg14 : memref<!tpu.dma_semaphore, #tpu.memory_space<semaphore_mem>>) src(%dma_wait3A_94 : memref<10112x64xf32, #tpu.memory_space<vmem_shared>>) dst(%arg10 : memref<128x64xf32, #tpu.memory_space<vmem>>)
      %mul3A_95 = arith.constant 1 : i32
      %mul3A_96 = arith.muli %min3A_84, %mul3A_95 : i32
      %mul3A_97 = arith.constant 128 : i32
      %mul3A_98 = arith.muli %mul3A_96, %mul3A_97 : i32
      %dma_start3A_99 = tpu.memref_slice %arg7[%mul3A_98] : memref<10240xi32, #tpu.memory_space<vmem>> -> memref<128xi32, #tpu.memory_space<vmem>>
      %dma_start3A_100 = arith.constant 0 : i32
      %dma_start3A_101 = arith.constant 0 : i32
      %dma_start3A_102 = tpu.memref_slice %arg11[%dma_start3A_100, %dma_start3A_101] : memref<10112x64xf32, #tpu.memory_space<vmem_shared>> -> memref<10112x64xf32, #tpu.memory_space<vmem_shared>>
      tpu.enqueue_indirect_dma source(%dma_start3A_102 : memref<10112x64xf32, #tpu.memory_space<vmem_shared>>) target(%arg9 : memref<128x64xf32, #tpu.memory_space<vmem>>) offsets(%dma_start3A_99 : memref<128xi32, #tpu.memory_space<vmem>>) semaphore(%arg13 : memref<!tpu.dma_semaphore, #tpu.memory_space<semaphore_mem>>)
      %add3A_103 = arith.constant 1 : i32
      %add3A_104 = arith.addi %mul3A_59, %add3A_103 : i32
      %mul3A_105 = arith.constant 1 : i32
      %mul3A_106 = arith.muli %add3A_104, %mul3A_105 : i32
      %mul3A_107 = arith.constant 128 : i32
      %mul3A_108 = arith.muli %mul3A_106, %mul3A_107 : i32
      "tpu.region"() ({
        %run_scoped3A = tpu.sem_alloc : memref<!tpu.dma_semaphore, #tpu.memory_space<semaphore_mem>>
        %dma_start3A_109 = tpu.memref_slice %arg8[%mul3A_108] : memref<10240xi32, #tpu.memory_space<vmem>> -> memref<128xi32, #tpu.memory_space<vmem>>
        %dma_start3A_110 = arith.constant 0 : i32
        %dma_start3A_111 = arith.constant 0 : i32
        %dma_start3A_112 = tpu.memref_slice %arg12[%dma_start3A_110, %dma_start3A_111] : memref<10112x64xf32, #tpu.memory_space<vmem_shared>> -> memref<10112x64xf32, #tpu.memory_space<vmem_shared>>
        tpu.enqueue_indirect_dma source(%arg10 : memref<128x64xf32, #tpu.memory_space<vmem>>) target(%dma_start3A_112 : memref<10112x64xf32, #tpu.memory_space<vmem_shared>>) offsets(%dma_start3A_109 : memref<128xi32, #tpu.memory_space<vmem>>) semaphore(%run_scoped3A : memref<!tpu.dma_semaphore, #tpu.memory_space<semaphore_mem>>) {add = true}
        %dma_wait3A_113 = tpu.memref_slice %arg8[%mul3A_108] : memref<10240xi32, #tpu.memory_space<vmem>> -> memref<128xi32, #tpu.memory_space<vmem>>
        %dma_wait3A_114 = arith.constant 0 : i32
        %dma_wait3A_115 = arith.constant 0 : i32
        %dma_wait3A_116 = tpu.memref_slice %arg12[%dma_wait3A_114, %dma_wait3A_115] : memref<10112x64xf32, #tpu.memory_space<vmem_shared>> -> memref<10112x64xf32, #tpu.memory_space<vmem_shared>>
        tpu.wait_indirect_dma semaphore(%run_scoped3A : memref<!tpu.dma_semaphore, #tpu.memory_space<semaphore_mem>>) src(%arg10 : memref<128x64xf32, #tpu.memory_space<vmem>>) dst(%dma_wait3A_116 : memref<10112x64xf32, #tpu.memory_space<vmem_shared>>)
        tpu.yield
      }) : () -> ()
    }
    %scan3A_50 = arith.constant 40 : i32
    %dma_wait3A_51 = arith.constant 10112 : i32
    %dma_wait3A_52 = tpu.memref_slice %arg7[%dma_wait3A_51] : memref<10240xi32, #tpu.memory_space<vmem>> -> memref<128xi32, #tpu.memory_space<vmem>>
    %dma_wait3A_53 = arith.constant 0 : i32
    %dma_wait3A_54 = arith.constant 0 : i32
    %dma_wait3A_55 = tpu.memref_slice %arg11[%dma_wait3A_53, %dma_wait3A_54] : memref<10112x64xf32, #tpu.memory_space<vmem_shared>> -> memref<10112x64xf32, #tpu.memory_space<vmem_shared>>
    tpu.wait_indirect_dma semaphore(%arg13 : memref<!tpu.dma_semaphore, #tpu.memory_space<semaphore_mem>>) src(%dma_wait3A_55 : memref<10112x64xf32, #tpu.memory_space<vmem_shared>>) dst(%arg9 : memref<128x64xf32, #tpu.memory_space<vmem>>)
    %barrier3A_56 = arith.constant 0 : index
    tpu.barrier barrier_id(%barrier3A_56)
    "tpu.region"() ({
      %run_scoped3A = tpu.sem_alloc : memref<!tpu.dma_semaphore, #tpu.memory_space<semaphore_mem>>
      %dma_start3A_57 = arith.constant 0 : i32
      %dma_start3A_58 = tpu.memref_slice %arg6[%arg0, %mul3A_2, %dma_start3A_57] : memref<2x10112x64xf32, #tpu.memory_space<hbm>> -> memref<1x632x64xf32, #tpu.memory_space<hbm>>
      %dma_start3A_59 = tpu.memref_squeeze %dma_start3A_58 : memref<1x632x64xf32, #tpu.memory_space<hbm>> -> memref<632x64xf32, #tpu.memory_space<hbm>>
      %dma_start3A_60 = arith.constant 0 : i32
      %dma_start3A_61 = tpu.memref_slice %arg12[%mul3A_2, %dma_start3A_60] : memref<10112x64xf32, #tpu.memory_space<vmem_shared>> -> memref<632x64xf32, #tpu.memory_space<vmem_shared>>
      tpu.enqueue_dma source(%dma_start3A_61 : memref<632x64xf32, #tpu.memory_space<vmem_shared>>) target(%dma_start3A_59 : memref<632x64xf32, #tpu.memory_space<hbm>>) target_semaphore(%run_scoped3A : memref<!tpu.dma_semaphore, #tpu.memory_space<semaphore_mem>>)
      %dma_wait3A_62 = arith.constant 0 : i32
      %dma_wait3A_63 = tpu.memref_slice %arg6[%arg0, %mul3A_2, %dma_wait3A_62] : memref<2x10112x64xf32, #tpu.memory_space<hbm>> -> memref<1x632x64xf32, #tpu.memory_space<hbm>>
      %dma_wait3A_64 = tpu.memref_squeeze %dma_wait3A_63 : memref<1x632x64xf32, #tpu.memory_space<hbm>> -> memref<632x64xf32, #tpu.memory_space<hbm>>
      %dma_wait3A_65 = arith.constant 0 : i32
      %dma_wait3A_66 = tpu.memref_slice %arg12[%mul3A_2, %dma_wait3A_65] : memref<10112x64xf32, #tpu.memory_space<vmem_shared>> -> memref<632x64xf32, #tpu.memory_space<vmem_shared>>
      tpu.wait_dma2 semaphore(%run_scoped3A : memref<!tpu.dma_semaphore, #tpu.memory_space<semaphore_mem>>) src(%dma_wait3A_66 : memref<632x64xf32, #tpu.memory_space<vmem_shared>>) dst(%dma_wait3A_64 : memref<632x64xf32, #tpu.memory_space<hbm>>)
      tpu.yield
    }) : () -> ()
    return
  }
}

module attributes {stable_mosaic.version = 14 : i64} {
  func.func @_tc_a_body(%arg0: memref<10000x128xf32, #tpu.memory_space<vmem>>, %arg1: memref<128x64xf32, #tpu.memory_space<vmem>>, %arg2: memref<2x10112x16xf32, #tpu.memory_space<vmem>>, %arg3: memref<10112x64xf32, #tpu.memory_space<vmem>>, %arg4: memref<10000x1xf32, #tpu.memory_space<vmem>>) attributes {dimension_semantics = [], scalar_prefetch = 0 : i64, scratch_operands = 0 : i64, tpu.core_type = #tpu.core_type<tc>} {
    %get3A = arith.constant 0 : index
    %get3A_0 = arith.constant 0 : index
    %get3A_1 = arith.constant 0 : index
    %get3A_2 = vector.load %arg2[%get3A, %get3A_0, %get3A_1] : memref<2x10112x16xf32, #tpu.memory_space<vmem>>, vector<1x10000x1xf32>
    %get3A_3 = vector.shape_cast %get3A_2 : vector<1x10000x1xf32> to vector<10000x1xf32>
    %get3A_4 = arith.constant 1 : index
    %get3A_5 = arith.constant 0 : index
    %get3A_6 = arith.constant 0 : index
    %get3A_7 = vector.load %arg2[%get3A_4, %get3A_5, %get3A_6] : memref<2x10112x16xf32, #tpu.memory_space<vmem>>, vector<1x10000x1xf32>
    %get3A_8 = vector.shape_cast %get3A_7 : vector<1x10000x1xf32> to vector<10000x1xf32>
    %add3A = arith.addf %get3A_3, %get3A_8 : vector<10000x1xf32>
    %add3A_9 = arith.constant 1.000000e+00 : f32
    %add3A_10 = vector.broadcast %add3A_9 : f32 to vector<10000x1xf32>
    %add3A_11 = arith.addf %add3A, %add3A_10 : vector<10000x1xf32>
    %rsqrt3A = math.rsqrt %add3A_11 : vector<10000x1xf32>
    %swap3A = arith.constant 0 : index
    %swap3A_12 = arith.constant 0 : index
    %swap3A_13 = vector.load %arg4[%swap3A, %swap3A_12] : memref<10000x1xf32, #tpu.memory_space<vmem>>, vector<10000x1xf32>
    tpu.vector_store %arg4[%swap3A, %swap3A_12], %rsqrt3A {strides = array<i32>} : memref<10000x1xf32, #tpu.memory_space<vmem>>, vector<10000x1xf32>,
    %get3A_14 = arith.constant 0 : index
    %get3A_15 = arith.constant 0 : index
    %get3A_16 = vector.load %arg0[%get3A_14, %get3A_15] : memref<10000x128xf32, #tpu.memory_space<vmem>>, vector<10000x128xf32>
    %get3A_17 = arith.constant 0 : index
    %get3A_18 = arith.constant 0 : index
    %get3A_19 = vector.load %arg1[%get3A_17, %get3A_18] : memref<128x64xf32, #tpu.memory_space<vmem>>, vector<128x64xf32>
    %dot_general3A = arith.constant dense<0.000000e+00> : vector<10000x64xf32>
    %dot_general3A_20 = tpu.matmul %get3A_16, %get3A_19, %dot_general3A {dimension_numbers = #tpu.dot_dimension_numbers<[1], [0], [0], [1], [0, 0, 1, 1], [], []>, transpose_lhs_hint = false} : vector<10000x128xf32>, vector<128x64xf32>, vector<10000x64xf32> -> vector<10000x64xf32>
    %mul3A = vector.broadcast %rsqrt3A : vector<10000x1xf32> to vector<10000x64xf32>
    %mul3A_21 = arith.mulf %mul3A, %dot_general3A_20 : vector<10000x64xf32>
    %swap3A_22 = arith.constant 0 : index
    %swap3A_23 = arith.constant 0 : index
    %swap3A_24 = vector.load %arg3[%swap3A_22, %swap3A_23] : memref<10112x64xf32, #tpu.memory_space<vmem>>, vector<10000x64xf32>
    tpu.vector_store %arg3[%swap3A_22, %swap3A_23], %mul3A_21 {strides = array<i32>} : memref<10112x64xf32, #tpu.memory_space<vmem>>, vector<10000x64xf32>,
    %broadcast_in_dim3A = arith.constant 0.000000e+00 : f32
    %broadcast_in_dim3A_25 = vector.broadcast %broadcast_in_dim3A : f32 to vector<112x64xf32>
    %swap3A_26 = arith.constant 10000 : index
    %swap3A_27 = arith.constant 0 : index
    %swap3A_28 = vector.load %arg3[%swap3A_26, %swap3A_27] : memref<10112x64xf32, #tpu.memory_space<vmem>>, vector<112x64xf32>
    tpu.vector_store %arg3[%swap3A_26, %swap3A_27], %broadcast_in_dim3A_25 {strides = array<i32>} : memref<10112x64xf32, #tpu.memory_space<vmem>>, vector<112x64xf32>,
    return
  }
}

module attributes {stable_mosaic.version = 14 : i64} {
  func.func @_tc_mid_body(%arg0: memref<2x10112x64xf32, #tpu.memory_space<vmem>>, %arg1: memref<10112x64xf32, #tpu.memory_space<vmem>>, %arg2: memref<10000x1xf32, #tpu.memory_space<vmem>>, %arg3: memref<64xf32, #tpu.memory_space<vmem>>, %arg4: memref<64xf32, #tpu.memory_space<vmem>>, %arg5: memref<64xf32, #tpu.memory_space<vmem>>, %arg6: memref<64x64xf32, #tpu.memory_space<vmem>>, %arg7: memref<10112x64xf32, #tpu.memory_space<vmem>>) attributes {dimension_semantics = [], scalar_prefetch = 0 : i64, scratch_operands = 0 : i64, tpu.core_type = #tpu.core_type<tc>} {
    %get3A = arith.constant 0 : index
    %get3A_0 = arith.constant 0 : index
    %get3A_1 = vector.load %arg2[%get3A, %get3A_0] : memref<10000x1xf32, #tpu.memory_space<vmem>>, vector<10000x1xf32>
    %get3A_2 = arith.constant 0 : index
    %get3A_3 = arith.constant 0 : index
    %get3A_4 = arith.constant 0 : index
    %get3A_5 = vector.load %arg0[%get3A_2, %get3A_3, %get3A_4] : memref<2x10112x64xf32, #tpu.memory_space<vmem>>, vector<1x10000x64xf32>
    %get3A_6 = vector.shape_cast %get3A_5 : vector<1x10000x64xf32> to vector<10000x64xf32>
    %get3A_7 = arith.constant 1 : index
    %get3A_8 = arith.constant 0 : index
    %get3A_9 = arith.constant 0 : index
    %get3A_10 = vector.load %arg0[%get3A_7, %get3A_8, %get3A_9] : memref<2x10112x64xf32, #tpu.memory_space<vmem>>, vector<1x10000x64xf32>
    %get3A_11 = vector.shape_cast %get3A_10 : vector<1x10000x64xf32> to vector<10000x64xf32>
    %add3A = arith.addf %get3A_6, %get3A_11 : vector<10000x64xf32>
    %get3A_12 = arith.constant 0 : index
    %get3A_13 = arith.constant 0 : index
    %get3A_14 = vector.load %arg1[%get3A_12, %get3A_13] : memref<10112x64xf32, #tpu.memory_space<vmem>>, vector<10000x64xf32>
    %add3A_15 = arith.addf %add3A, %get3A_14 : vector<10000x64xf32>
    %mul3A = vector.broadcast %get3A_1 : vector<10000x1xf32> to vector<10000x64xf32>
    %mul3A_16 = arith.mulf %mul3A, %add3A_15 : vector<10000x64xf32>
    %get3A_17 = arith.constant 0 : index
    %get3A_18 = vector.load %arg3[%get3A_17] : memref<64xf32, #tpu.memory_space<vmem>>, vector<64xf32>
    %broadcast_in_dim3A = vector.shape_cast %get3A_18 : vector<64xf32> to vector<1x64xf32>
    %add3A_19 = vector.broadcast %broadcast_in_dim3A : vector<1x64xf32> to vector<10000x64xf32>
    %add3A_20 = arith.addf %mul3A_16, %add3A_19 : vector<10000x64xf32>
    %reduce_sum3A = arith.constant dense<0.000000e+00> : vector<64xf32>
    %reduce_sum3A_21 = vector.multi_reduction <add>, %add3A_20, %reduce_sum3A [0] : vector<10000x64xf32> to vector<64xf32>
    %broadcast_in_dim3A_22 = vector.shape_cast %reduce_sum3A_21 : vector<64xf32> to vector<1x64xf32>
    %div3A = arith.constant 1.000000e+04 : f32
    %div3A_23 = vector.broadcast %div3A : f32 to vector<1x64xf32>
    %div3A_24 = arith.divf %broadcast_in_dim3A_22, %div3A_23 : vector<1x64xf32>
    %sub3A = vector.broadcast %div3A_24 : vector<1x64xf32> to vector<10000x64xf32>
    %sub3A_25 = arith.subf %add3A_20, %sub3A : vector<10000x64xf32>
    %integer_pow3A = arith.mulf %sub3A_25, %sub3A_25 : vector<10000x64xf32>
    %reduce_sum3A_26 = arith.constant dense<0.000000e+00> : vector<64xf32>
    %reduce_sum3A_27 = vector.multi_reduction <add>, %integer_pow3A, %reduce_sum3A_26 [0] : vector<10000x64xf32> to vector<64xf32>
    %broadcast_in_dim3A_28 = vector.shape_cast %reduce_sum3A_27 : vector<64xf32> to vector<1x64xf32>
    %div3A_29 = arith.constant 1.000000e+04 : f32
    %div3A_30 = vector.broadcast %div3A_29 : f32 to vector<1x64xf32>
    %div3A_31 = arith.divf %broadcast_in_dim3A_28, %div3A_30 : vector<1x64xf32>
    %get3A_32 = arith.constant 0 : index
    %get3A_33 = vector.load %arg4[%get3A_32] : memref<64xf32, #tpu.memory_space<vmem>>, vector<64xf32>
    %sub3A_34 = vector.broadcast %div3A_24 : vector<1x64xf32> to vector<10000x64xf32>
    %sub3A_35 = arith.subf %add3A_20, %sub3A_34 : vector<10000x64xf32>
    %broadcast_in_dim3A_36 = vector.shape_cast %get3A_33 : vector<64xf32> to vector<1x64xf32>
    %mul3A_37 = vector.broadcast %broadcast_in_dim3A_36 : vector<1x64xf32> to vector<10000x64xf32>
    %mul3A_38 = arith.mulf %mul3A_37, %sub3A_35 : vector<10000x64xf32>
    %add3A_39 = arith.constant 9.99999974E-6 : f32
    %add3A_40 = vector.broadcast %add3A_39 : f32 to vector<1x64xf32>
    %add3A_41 = arith.addf %div3A_31, %add3A_40 : vector<1x64xf32>
    %rsqrt3A = math.rsqrt %add3A_41 : vector<1x64xf32>
    %mul3A_42 = vector.broadcast %rsqrt3A : vector<1x64xf32> to vector<10000x64xf32>
    %mul3A_43 = arith.mulf %mul3A_38, %mul3A_42 : vector<10000x64xf32>
    %get3A_44 = arith.constant 0 : index
    %get3A_45 = vector.load %arg5[%get3A_44] : memref<64xf32, #tpu.memory_space<vmem>>, vector<64xf32>
    %broadcast_in_dim3A_46 = vector.shape_cast %get3A_45 : vector<64xf32> to vector<1x64xf32>
    %add3A_47 = vector.broadcast %broadcast_in_dim3A_46 : vector<1x64xf32> to vector<10000x64xf32>
    %add3A_48 = arith.addf %mul3A_43, %add3A_47 : vector<10000x64xf32>
    %max3A = arith.constant 0.000000e+00 : f32
    %max3A_49 = vector.broadcast %max3A : f32 to vector<10000x64xf32>
    %max3A_50 = arith.maximumf %add3A_48, %max3A_49 : vector<10000x64xf32>
    %get3A_51 = arith.constant 0 : index
    %get3A_52 = arith.constant 0 : index
    %get3A_53 = vector.load %arg6[%get3A_51, %get3A_52] : memref<64x64xf32, #tpu.memory_space<vmem>>, vector<64x64xf32>
    %dot_general3A = arith.constant dense<0.000000e+00> : vector<10000x64xf32>
    %dot_general3A_54 = tpu.matmul %max3A_50, %get3A_53, %dot_general3A {dimension_numbers = #tpu.dot_dimension_numbers<[1], [0], [0], [1], [0, 0, 1, 1], [], []>, transpose_lhs_hint = false} : vector<10000x64xf32>, vector<64x64xf32>, vector<10000x64xf32> -> vector<10000x64xf32>
    %mul3A_55 = vector.broadcast %get3A_1 : vector<10000x1xf32> to vector<10000x64xf32>
    %mul3A_56 = arith.mulf %mul3A_55, %dot_general3A_54 : vector<10000x64xf32>
    %swap3A = arith.constant 0 : index
    %swap3A_57 = arith.constant 0 : index
    %swap3A_58 = vector.load %arg7[%swap3A, %swap3A_57] : memref<10112x64xf32, #tpu.memory_space<vmem>>, vector<10000x64xf32>
    tpu.vector_store %arg7[%swap3A, %swap3A_57], %mul3A_56 {strides = array<i32>} : memref<10112x64xf32, #tpu.memory_space<vmem>>, vector<10000x64xf32>,
    %broadcast_in_dim3A_59 = arith.constant 0.000000e+00 : f32
    %broadcast_in_dim3A_60 = vector.broadcast %broadcast_in_dim3A_59 : f32 to vector<112x64xf32>
    %swap3A_61 = arith.constant 10000 : index
    %swap3A_62 = arith.constant 0 : index
    %swap3A_63 = vector.load %arg7[%swap3A_61, %swap3A_62] : memref<10112x64xf32, #tpu.memory_space<vmem>>, vector<112x64xf32>
    tpu.vector_store %arg7[%swap3A_61, %swap3A_62], %broadcast_in_dim3A_60 {strides = array<i32>} : memref<10112x64xf32, #tpu.memory_space<vmem>>, vector<112x64xf32>,
    return
  }
}

module attributes {stable_mosaic.version = 14 : i64} {
  func.func @_tc_out_body(%arg0: memref<2x10112x64xf32, #tpu.memory_space<vmem>>, %arg1: memref<10112x64xf32, #tpu.memory_space<vmem>>, %arg2: memref<10000x1xf32, #tpu.memory_space<vmem>>, %arg3: memref<64xf32, #tpu.memory_space<vmem>>, %arg4: memref<64xf32, #tpu.memory_space<vmem>>, %arg5: memref<64xf32, #tpu.memory_space<vmem>>, %arg6: memref<10000x64xf32, #tpu.memory_space<vmem>>) attributes {dimension_semantics = [], scalar_prefetch = 0 : i64, scratch_operands = 0 : i64, tpu.core_type = #tpu.core_type<tc>} {
    %get3A = arith.constant 0 : index
    %get3A_0 = arith.constant 0 : index
    %get3A_1 = vector.load %arg2[%get3A, %get3A_0] : memref<10000x1xf32, #tpu.memory_space<vmem>>, vector<10000x1xf32>
    %get3A_2 = arith.constant 0 : index
    %get3A_3 = arith.constant 0 : index
    %get3A_4 = arith.constant 0 : index
    %get3A_5 = vector.load %arg0[%get3A_2, %get3A_3, %get3A_4] : memref<2x10112x64xf32, #tpu.memory_space<vmem>>, vector<1x10000x64xf32>
    %get3A_6 = vector.shape_cast %get3A_5 : vector<1x10000x64xf32> to vector<10000x64xf32>
    %get3A_7 = arith.constant 1 : index
    %get3A_8 = arith.constant 0 : index
    %get3A_9 = arith.constant 0 : index
    %get3A_10 = vector.load %arg0[%get3A_7, %get3A_8, %get3A_9] : memref<2x10112x64xf32, #tpu.memory_space<vmem>>, vector<1x10000x64xf32>
    %get3A_11 = vector.shape_cast %get3A_10 : vector<1x10000x64xf32> to vector<10000x64xf32>
    %add3A = arith.addf %get3A_6, %get3A_11 : vector<10000x64xf32>
    %get3A_12 = arith.constant 0 : index
    %get3A_13 = arith.constant 0 : index
    %get3A_14 = vector.load %arg1[%get3A_12, %get3A_13] : memref<10112x64xf32, #tpu.memory_space<vmem>>, vector<10000x64xf32>
    %add3A_15 = arith.addf %add3A, %get3A_14 : vector<10000x64xf32>
    %mul3A = vector.broadcast %get3A_1 : vector<10000x1xf32> to vector<10000x64xf32>
    %mul3A_16 = arith.mulf %mul3A, %add3A_15 : vector<10000x64xf32>
    %get3A_17 = arith.constant 0 : index
    %get3A_18 = vector.load %arg3[%get3A_17] : memref<64xf32, #tpu.memory_space<vmem>>, vector<64xf32>
    %broadcast_in_dim3A = vector.shape_cast %get3A_18 : vector<64xf32> to vector<1x64xf32>
    %add3A_19 = vector.broadcast %broadcast_in_dim3A : vector<1x64xf32> to vector<10000x64xf32>
    %add3A_20 = arith.addf %mul3A_16, %add3A_19 : vector<10000x64xf32>
    %reduce_sum3A = arith.constant dense<0.000000e+00> : vector<64xf32>
    %reduce_sum3A_21 = vector.multi_reduction <add>, %add3A_20, %reduce_sum3A [0] : vector<10000x64xf32> to vector<64xf32>
    %broadcast_in_dim3A_22 = vector.shape_cast %reduce_sum3A_21 : vector<64xf32> to vector<1x64xf32>
    %div3A = arith.constant 1.000000e+04 : f32
    %div3A_23 = vector.broadcast %div3A : f32 to vector<1x64xf32>
    %div3A_24 = arith.divf %broadcast_in_dim3A_22, %div3A_23 : vector<1x64xf32>
    %sub3A = vector.broadcast %div3A_24 : vector<1x64xf32> to vector<10000x64xf32>
    %sub3A_25 = arith.subf %add3A_20, %sub3A : vector<10000x64xf32>
    %integer_pow3A = arith.mulf %sub3A_25, %sub3A_25 : vector<10000x64xf32>
    %reduce_sum3A_26 = arith.constant dense<0.000000e+00> : vector<64xf32>
    %reduce_sum3A_27 = vector.multi_reduction <add>, %integer_pow3A, %reduce_sum3A_26 [0] : vector<10000x64xf32> to vector<64xf32>
    %broadcast_in_dim3A_28 = vector.shape_cast %reduce_sum3A_27 : vector<64xf32> to vector<1x64xf32>
    %div3A_29 = arith.constant 1.000000e+04 : f32
    %div3A_30 = vector.broadcast %div3A_29 : f32 to vector<1x64xf32>
    %div3A_31 = arith.divf %broadcast_in_dim3A_28, %div3A_30 : vector<1x64xf32>
    %get3A_32 = arith.constant 0 : index
    %get3A_33 = vector.load %arg4[%get3A_32] : memref<64xf32, #tpu.memory_space<vmem>>, vector<64xf32>
    %sub3A_34 = vector.broadcast %div3A_24 : vector<1x64xf32> to vector<10000x64xf32>
    %sub3A_35 = arith.subf %add3A_20, %sub3A_34 : vector<10000x64xf32>
    %broadcast_in_dim3A_36 = vector.shape_cast %get3A_33 : vector<64xf32> to vector<1x64xf32>
    %mul3A_37 = vector.broadcast %broadcast_in_dim3A_36 : vector<1x64xf32> to vector<10000x64xf32>
    %mul3A_38 = arith.mulf %mul3A_37, %sub3A_35 : vector<10000x64xf32>
    %add3A_39 = arith.constant 9.99999974E-6 : f32
    %add3A_40 = vector.broadcast %add3A_39 : f32 to vector<1x64xf32>
    %add3A_41 = arith.addf %div3A_31, %add3A_40 : vector<1x64xf32>
    %rsqrt3A = math.rsqrt %add3A_41 : vector<1x64xf32>
    %mul3A_42 = vector.broadcast %rsqrt3A : vector<1x64xf32> to vector<10000x64xf32>
    %mul3A_43 = arith.mulf %mul3A_38, %mul3A_42 : vector<10000x64xf32>
    %get3A_44 = arith.constant 0 : index
    %get3A_45 = vector.load %arg5[%get3A_44] : memref<64xf32, #tpu.memory_space<vmem>>, vector<64xf32>
    %broadcast_in_dim3A_46 = vector.shape_cast %get3A_45 : vector<64xf32> to vector<1x64xf32>
    %add3A_47 = vector.broadcast %broadcast_in_dim3A_46 : vector<1x64xf32> to vector<10000x64xf32>
    %add3A_48 = arith.addf %mul3A_43, %add3A_47 : vector<10000x64xf32>
    %max3A = arith.constant 0.000000e+00 : f32
    %max3A_49 = vector.broadcast %max3A : f32 to vector<10000x64xf32>
    %max3A_50 = arith.maximumf %add3A_48, %max3A_49 : vector<10000x64xf32>
    %swap3A = arith.constant 0 : index
    %swap3A_51 = arith.constant 0 : index
    %swap3A_52 = vector.load %arg6[%swap3A, %swap3A_51] : memref<10000x64xf32, #tpu.memory_space<vmem>>, vector<10000x64xf32>
    tpu.vector_store %arg6[%swap3A, %swap3A_51], %max3A_50 {strides = array<i32>} : memref<10000x64xf32, #tpu.memory_space<vmem>>, vector<10000x64xf32>,
    return
  }
}

</mosaic_0001>

<sc_bundles>
// kernel: kernel.11.cloned.1.call-start
scs
__scs_entry_jumppad:
0x0: {  	(pc) =	sbr.rel $0x88, $3  }
0x1: {  	(tag) =	ssettag $0x0;
	lr =	simm.s32 $0x1  }
0x2: {  	[smem:$0x3F97] =	sst lr;
	_ =	strace $0xD0000000  }
0x3: {  	_ = 	snop  }
0x4: {  	_ = 	snop  }
0x5: {  	_ = 	snop  }
0x6: {  	_ = 	snop  }
0x7: {  	_ = 	snop  }
__scs_overlays_trampoline_lowered:
0x8: {  	[smem:$0x3FA6] =	sst s0  }
0x9: {  	[smem:$0x3FA7] =	sst s1  }
0xa: {  	[smem:$0x3FA8] =	sst s2  }
0xb: {  	[smem:$0x3FA9] =	sst s3  }
0xc: {  	[smem:$0x3FAA] =	sst s4  }
0xd: {  	[smem:$0x3FAB] =	sst s5  }
0xe: {  	[smem:$0x3FAC] =	sst s6  }
0xf: {  	[smem:$0x3FAD] =	sst s7  }
0x10: {  	[smem:$0x3FAE] =	sst s8  }
0x11: {  	[smem:$0x3FAF] =	sst s9;
	s0 =	simm.s32 @!p0 $0x0  }
0x12: {  	s1 =	sld [smem:$0x3F95];
	s0 =	simm.s32 @p0 $0x1  }
0x13: {  	[smem:$0x3FB0] =	sst s0;
	s0 =	simm.s32 @!p1 $0x0  }
0x14: {  	s2 =	sld [smem:$0x3F94];
	s0 =	simm.s32 @p1 $0x1  }
0x15: {  	[smem:$0x3FB1] =	sst s0;
	s0 =	simm.s32 @!p2 $0x0  }
0x16: {  	s3 =	sld [smem:$0x3FDB];
	s0 =	simm.s32 @p2 $0x1  }
0x17: {  	s4 =	simm.s32 $0x1BF5;
	[smem:$0x3FB3] =	sst s0  }
0x18: {  	s0 =	sld [smem:$0x3F96];
	_ =	swait.ge [sflag:s4], $0x0  }
0x19: {  	s7 =	sld [smem:$0x3F97]  }
0x1a: {  	s8 =	sadd.s32 $0xFFFFE003, lr  }
0x1b: {  	s9 =	sadd.s32 $0xFFFFFEF7, lr;
	s5 =	simm.s32 $0xFFFFFFFF;
	p2 =	slt.u32 s8, $0xFFFFF086  }
0x1c: {  	p1 =	slt.u32 s9, $0xF7A;
	s5 =	simm.s32 @!p2 $0x0  }
0x1d: {  	s5 =	simm.s32 @p1 $0x1;
	p0 =	seq.s32 s7, s2  }
0x1e: {  	s7 =	smul.u32 @!p0 $0xF7A, s2;
	p2 =	seq.s32 @!p0 s5, $0x0  }
0x1f: {  	s9 =	smul.u32 $0xF7A, s1;
	s8 =	simm.s32 @!p0 $0x1BF5;
	p2 =	por !p2, p0  }
0x20: {  	[sflag:s8] =	ssyncset.s32 @!p0 $0xFFFFF086;
	s6 =	sadd.s32 @!p0 s3, s7;
	s7 =	simm.s32 @!p0 $0x108  }
0x21: {  	s3 =	sadd.s32 s3, s9;
	s6 =	sadd.s32 @!p0 $0x88, s6;
	s7 =	simm.s32 @p2 $0x1082  }
0x22: {  	[simem:s7], [sflag:s8] =	dma.local @!p0 [hbm:s6], $0xF7A  }
0x23: {  	s9 =	sor.u32 $0xD0000000, s2;
	s6 =	simm.s32 $0x108;
	_ =	swait.ge @!p0 [sflag:s8], $0x0  }
0x24: {  	s3 =	sadd.s32 $0x88, s3;
	s6 =	simm.s32 @!p1 $0x1082;
	[sflag:s4] =	ssyncset.s32 $0xFFFFF086  }
0x25: {  	[simem:s6], [sflag:s4] =	dma.local [hbm:s3], $0xF7A  }
0x26: {  	[smem:$0x3F97] =	sst s1;
	(tag) =	ssettag s2;
	_ =	strace s9  }
0x27: {  	s1 =	sld [smem:$0x3FA7]  }
0x28: {  	s2 =	sld [smem:$0x3FA8]  }
0x29: {  	s4 =	sld [smem:$0x3FAA]  }
0x2a: {  	p0 =	seq.s32 s5, $0x0;
	s5 =	sld [smem:$0x3FAB]  }
0x2b: {  	s6 =	sld [smem:$0x3FAC]  }
0x2c: {  	s7 =	sld [smem:$0x3FAD]  }
0x2d: {  	s3 =	simm.s32 $0x108;
	s8 =	sld [smem:$0x3FAE]  }
0x2e: {  	s3 =	simm.s32 @!p0 $0x1082;
	s9 =	sld [smem:$0x3FAF]  }
0x2f: {  	lr =	sadd.s32 s0, s3;
	s0 =	sld [smem:$0x3FA6]  }
0x30: {  	s3 =	sld [smem:$0x3FA9]  }
0x31: {  	[smem:$0x3FB2] =	sst s10  }
0x32: {  	s10 =	sld [smem:$0x3FB0];
	_ =	sdelay $0x3  }
0x33: {  	p0 =	seq.s32 s10, $0x1;
	s10 =	sld [smem:$0x3FB2];
	_ =	sdelay $0x3  }
0x34: {  	[smem:$0x3FB2] =	sst s10  }
0x35: {  	s10 =	sld [smem:$0x3FB1];
	_ =	sdelay $0x3  }
0x36: {  	p1 =	seq.s32 s10, $0x1;
	s10 =	sld [smem:$0x3FB2];
	_ =	sdelay $0x3  }
0x37: {  	[smem:$0x3FB2] =	sst s10  }
0x38: {  	s10 =	sld [smem:$0x3FB3]  }
0x39: {  	_ = 	snop;
	(pc) =	sbr.ind lr, $3  }
0x3a: {  	_ = 	snop  }
0x3b: {  	_ = 	snop  }
0x3c: {  	p2 =	seq.s32 s10, $0x1;
	s10 =	sld [smem:$0x3FB2]  }
0x3d: {  	_ =	shalt  }
0x3e: {  	_ =	shalt  }
0x3f: {  	_ =	shalt  }
0x40: {  	_ =	shalt  }
0x41: {  	_ =	shalt  }
0x42: {  	_ =	shalt  }
0x43: {  	_ =	shalt  }
0x44: {  	_ =	shalt  }
0x45: {  	_ =	shalt  }
0x46: {  	_ =	shalt  }
0x47: {  	_ =	shalt  }
0x48: {  	_ =	shalt  }
0x49: {  	_ =	shalt  }
0x4a: {  	_ =	shalt  }
0x4b: {  	_ =	shalt  }
0x4c: {  	_ =	shalt  }
0x4d: {  	_ =	shalt  }
0x4e: {  	_ =	shalt  }
0x4f: {  	_ =	shalt  }
0x50: {  	_ =	shalt  }
0x51: {  	_ =	shalt  }
0x52: {  	_ =	shalt  }
0x53: {  	_ =	shalt  }
0x54: {  	_ =	shalt  }
0x55: {  	_ =	shalt  }
0x56: {  	_ =	shalt  }
0x57: {  	_ =	shalt  }
0x58: {  	_ =	shalt  }
0x59: {  	_ =	shalt  }
0x5a: {  	_ =	shalt  }
0x5b: {  	_ =	shalt  }
0x5c: {  	_ =	shalt  }
0x5d: {  	_ =	shalt  }
0x5e: {  	_ =	shalt  }
0x5f: {  	_ =	shalt  }
0x60: {  	_ =	shalt  }
0x61: {  	_ =	shalt  }
0x62: {  	_ =	shalt  }
0x63: {  	_ =	shalt  }
0x64: {  	_ =	shalt  }
0x65: {  	_ =	shalt  }
0x66: {  	_ =	shalt  }
0x67: {  	_ =	shalt  }
0x68: {  	_ =	shalt  }
0x69: {  	_ =	shalt  }
0x6a: {  	_ =	shalt  }
0x6b: {  	_ =	shalt  }
0x6c: {  	_ =	shalt  }
0x6d: {  	_ =	shalt  }
0x6e: {  	_ =	shalt  }
0x6f: {  	_ =	shalt  }
0x70: {  	_ =	shalt  }
0x71: {  	_ =	shalt  }
0x72: {  	_ =	shalt  }
0x73: {  	_ =	shalt  }
0x74: {  	_ =	shalt  }
0x75: {  	_ =	shalt  }
0x76: {  	_ =	shalt  }
0x77: {  	_ =	shalt  }
0x78: {  	_ =	shalt  }
0x79: {  	_ =	shalt  }
0x7a: {  	_ =	shalt  }
0x7b: {  	_ =	shalt  }
0x7c: {  	_ =	shalt  }
0x7d: {  	_ =	shalt  }
0x7e: {  	_ =	shalt  }
0x7f: {  	_ =	shalt  }
0x80: {  	_ =	shalt  }
0x81: {  	_ =	shalt  }
0x82: {  	_ =	shalt  }
0x83: {  	_ =	shalt  }
0x84: {  	_ =	shalt  }
0x85: {  	_ =	shalt  }
0x86: {  	_ =	shalt  }
0x87: {  	_ =	shalt  }
.Lfunc_end0:
.L_simem_size_0:
called_computation.1_lowered:
.L_overlay_start_0:
0x88: {  	s2 =	sld [smem:$0x3FD9]  }
0x89: {  	s3 =	sld [smem:$0x3FFE];
	_ =	sdelay $0x1  }
0x8a: {  	s1 =	srdreg.scid  }
0x8b: {  	s0 =	sand.u32 $0x1, s1  }
0x8c: {  	s17 =	sshll.u32 s0, $0xA;
	s2 =	sadd.s32 s3, s2  }
0x8d: {  	s2 =	sadd.s32 s2, s17  }
0x8e: {  	[smem:$0x3FBE] =	sst s2  }
0x8f: {  	_ = 	snop  }
0x90: {  	s2 =	sld [smem:$0x3FD0];
	(tm) =	ssettm $0x1  }
0x91: {  	s18 =	sld [smem:$0x3FFB];
	_ =	sdelay $0x3  }
0x92: {  	_ =	strace s18  }
0x93: {  	s3 =	sld [smem:$0x3FFC];
	_ =	sdelay $0x3  }
0x94: {  	_ =	strace s3  }
0x95: {  	s3 =	sld [smem:$0x3FFD];
	_ =	sdelay $0x3  }
0x96: {  	_ =	strace s3  }
0x97: {  	_ =	strace $0x8FFFFFFF  }
0x98: {  	s19 =	sld [smem:$0x3FDB];
	_ =	sdelay $0x1  }
0x99: {  	s4 =	simm.s32 $_scs_section_size  }
0x9a: {  	s5 =	simm.s32 $_size__tile_overlayer_lowered;
	s6 =	simm.s32 $_tile_overlayer_lowered  }
0x9b: {  	s22 =	simm.s32 $0x1BFF;
	s21 =	sshll.u32 s6, $0x1;
	s3 =	sadd.s32 s4, s19  }
0x9c: {  	s7 =	simm.s32 $0x0;
	s20 =	sshll.u32 s5, $0x1;
	s5 =	sadd.s32 s21, s3  }
0x9d: {  	[timem:s7], [sflag:s22] =	dma.local [hbm:s5], s20  }
0x9e: {  	_ =	swait.ge [sflag:s22], s20  }
0x9f: {  	s4 =	ssub.s32 $0x0, s20;
	[sflag:s22] =	ssyncset.done $0x0  }
0xa0: {  	[sflag:s22] =	ssyncadd.s32 s4;
	_ =	sdelay $0x1  }
0xa1: {  	s23 =	simm.s32 $0x1B8B  }
0xa2: {  	_ =	swait.ge [sflag:s23], $0x1  }
0xa3: {  	[sflag:s23] =	ssyncset.done $0x0  }
0xa4: {  	s25 =	simm.s32 $0x1B8E;
	s24 =	sld [smem:$0x3FFE];
	[sflag:s23] =	ssyncadd.s32 $0xFFFFFFFF  }
0xa5: {  	s26 =	simm.s32 $execute0_lowered;
	[smem:$0x3FD2] =	sst s25  }
0xa6: {  	s5 =	sshll.u32 s26, $0x1;
	_ =	strace $0x80000049;
	[dreg:$0x1] =	wrdreg $0xFFFFFFFF  }
0xa7: {  	s28 =	simm.s32 $_size_execute0_lowered;
	s3 =	sadd.s32 s3, s5;
	[dreg:$0x0] =	wrdreg $0x0  }
0xa8: {  	s5 =	sshll.u32 s28, $0x1;
	[dreg:$0x2] =	wrdreg s3  }
0xa9: {  	[dreg:$0x3] =	wrdreg s5  }
0xaa: {  	[dreg:$0x4] =	wrdreg $0xC0  }
0xab: {  	_ =	task [dreg:s7], $0x5FFFF  }
0xac: {  	[dreg:$0x1] =	wrdreg $0xFFFFFFFF  }
0xad: {  	[dreg:$0x0] =	wrdreg $0x60  }
0xae: {  	[dreg:$0x2] =	wrdreg s2  }
0xaf: {  	[dreg:$0x3] =	wrdreg s24  }
0xb0: {  	[dreg:$0x4] =	wrdreg $0x90000  }
0xb1: {  	[dreg:$0x5] =	wrdreg $0x12E000  }
0xb2: {  	[dreg:$0x6] =	wrdreg $0x9  }
0xb3: {  	_ =	task.clear_ibuf [dreg:s7], $0x7FFFF;
	_ =	strace $0x90000049  }
0xb4: {  	s29 =	simm.s32 $0x9;
	_ =	strace $0x8000004B  }
0xb5: {  	_ =	swait.ge [sflag:s29], $0x1  }
0xb6: {  	[sflag:s29] =	ssyncadd.s32 $0xFFFFFFFF  }
0xb7: {  	_ =	strace $0x9000004B  }
0xb8: {  	_ =	sfence  }
0xb9: {  	s30 =	sld [smem:$0x0];
	_ =	sdelay $0x2  }
0xba: {  	s31 =	sshll.u32 s1, $0xD;
	s1 =	sshrl.u32 s1, $0x2  }
0xbb: {  	s3 =	sand.u32 $0x4000, s31;
	s1 =	sadd.s32 s1, s30  }
0xbc: {  	s0 =	sor.u32 s3, s0;
	s1 =	sshll.u32 s1, $0x11  }
0xbd: {  	s0 =	sor.u32 s1, s0  }
0xbe: {  	s0 =	sadd.s32 $0x8F2B, s0  }
0xbf: {  	[sflag:s0] =	ssyncadd.remote.s32 $0x1  }
0xc0: {  	_ =	sfence.sel $0xFFFF  }
0xc1: {  	[dreg:$0x0] =	wrdreg $0xFFFFFFFF;
	(pc) =	sbr.abs _section_cstart, $3  }
0xc2: {  	[dreg:$0x1] =	wrdreg $0xFFFFFFFF  }
0xc3: {  	_ =	task.clear_ibuf [dreg:s7], $0x2FFFF;
	_ =	strace $0x9FFFFFFF  }
0xc4: {  	(tm) =	ssettm $0x7FFFFFFF  }
0xc5: {  	_ =	shalt  }
tec
execute0_lowered:
.L_overlay_start_1:
0x0: {  	(tag) =	ssettag $0x1  }
0x1: {  	s7 =	rddreg [dreg:$0x0]  }
0x2: {  	s6 =	rddreg [dreg:$0x1]  }
0x3: {  	s2 =	rddreg [dreg:$0x2]  }
0x4: {  	s0 =	srdreg.scid;
	s3 =	rddreg [dreg:$0x3];
	s4 =	simm.s32 $0x0  }
0x5: {  	s17 =	simm.s32 $0x80;
	s18 =	simm.s32 $0x5000;
	s19 =	simm.s32 $0x7000  }
0x6: {  	s20 =	simm.s32 $0x3;
	s21 =	simm.s32 $0x2;
	s22 =	simm.s32 $0x2780  }
0x7: {  	s23 =	simm.s32 $0x4F00;
	s24 =	simm.s32 $0x4F80;
	s25 =	simm.s32 $0x0  }
0x8: {  	s5 =	sand.u32 $0x1, s0;
	s0 =	stileid.u32;
	[smem:$0x7FF] =	sst s4  }
0x9: {  	s1 =	sshll.u32 s5, $0x4;
	s9 =	smul.u32 $0x9E000, s5;
	s5 =	ssub.s32 $0x2, s5  }
0xa: {  	s10 =	smul.u32 $0x9E00, s0;
	s1 =	sor.u32 s0, s1;
	s31 =	sshrl.u32 s5, $0x1  }
0xb: {  	s8 =	smul.u32 $0x500, s1;
	s1 =	rddreg [dreg:$0x4];
	_ =	strace $0x8000004A  }
0xc: {  	s9 =	sadd.s32 s10, s9;
	s11 =	sshrl.u32 s10, $0x3;
	s14 =	ssub.s32 s5, s31  }
0xd: {  	s15 =	sadd.s32 s10, s2;
	s16 =	sadd.s32 s10, s3;
	s9 =	sshrl.u32 s9, $0x3  }
0xe: {  	s12 =	sadd.s32 s11, s6;
	s7 =	sadd.s32 s7, s11;
	s8 =	sadd.s32 s8, s6  }
0xf: {  	s13 =	sadd.s32 s9, s6;
	s10 =	sadd.s32 $0x1B000, s12;
	s12 =	smax.u32 s14, $0x1  }
0x10: {  	s14 =	sshrl.u32 s15, $0x3;
	s15 =	sshrl.u32 s16, $0x3;
	s16 =	simm.s32 $0x1  }
0x11: {  	s5 =	sadd.s32 $0x11000, s8;
	s6 =	sadd.s32 $0x1E00, s8;
	s8 =	sshll.u32 s0, $0x6  }
0x12: {  	s11 =	sadd.s32 $0x2EC00, s13;
	s13 =	simm.s32 $0x2800;
	s9 =	sor.u32 $0x1C01, s8  }
.LBB2_1:
0x13: {  	[tilespmem:s4], [sflag:$0x1] =	stream.linear.gather [hbm4b:s5+s4], $0x2800, $0x38;
	[tilespmem:$0x1CC00] =	vst v63  }
0x14: {  	_ = 	snop  }
0x15: {  	[tilespmem:s13], [sflag:$0x1] =	stream.linear.gather [hbm4b:s6+s4], $0x2800, $0x38;
	[tilespmem:$0x1CC00] =	vst v63  }
0x16: {  	[spmem:s14], [sflag:s9] =	dma.local [hbm:s7], $0x13C0  }
0x17: {  	[spmem:s15], [sflag:s9] =	dma.local [hbm:s10], $0x13C0  }
0x18: {  	_ =	swait.ge [sflag:s16], $0x2800  }
0x19: {  	[sflag:s16] =	ssyncset.done $0x0  }
0x1a: {  	[sflag:s16] =	ssyncadd.s32 $0xFFFFD800  }
0x1b: {  	_ =	swait.ge [sflag:s16], $0x2800  }
0x1c: {  	[sflag:s16] =	ssyncset.done $0x0  }
0x1d: {  	[sflag:s16] =	ssyncadd.s32 $0xFFFFD800  }
0x1e: {  	_ =	swait.ge [sflag:s16], $0x13C0  }
0x1f: {  	[sflag:s16] =	ssyncset.done $0x0  }
0x20: {  	[sflag:s16] =	ssyncadd.s32 $0xFFFFEC40  }
0x21: {  	_ =	swait.ge [sflag:s16], $0x13C0  }
0x22: {  	[sflag:s16] =	ssyncset.done $0x0  }
0x23: {  	[sflag:s16] =	ssyncadd.s32 $0xFFFFEC40  }
0x24: {  	[bflag:$0x0] =	sbarrier.arrive $0xFFFF  }
0x25: {  	[tilespmem:s18], [sflag:$0x1] =	stream.indirect.gather [spmem:s2], $0x40, s4, s17, $0xb8;
	[tilespmem:$0x1CC00] =	vst v63  }
0x26: {  	_ =	swait.ge [sflag:s16], $0x2000  }
0x27: {  	[sflag:s16] =	ssyncset.done $0x0  }
0x28: {  	s26 =	simm.s32 $0x80;
	[sflag:s16] =	ssyncadd.s32 $0xFFFFE000  }
0x29: {  	[tilespmem:s19], [sflag:$0x2] =	stream.indirect.gather [spmem:s2], $0x40, s26, s17, $0xb8;
	[tilespmem:$0x1CC00] =	vst v63  }
0x2a: {  	s29 =	simm.s32 $0x2800  }
0x2b: {  	[spmem:s3] =	stream.indirect.scatter.add.f32 [tilespmem:s18], [sflag:$0x3], $0x40, s29, s17, $0xb8;
	[tilespmem:$0x1CC00] =	vst v63  }
0x2c: {  	_ =	swait.ge [sflag:s20], $0x2000  }
0x2d: {  	[sflag:s20] =	ssyncset.done $0x0  }
0x2e: {  	[sflag:s20] =	ssyncadd.s32 $0xFFFFE000  }
0x2f: {  	_ =	swait.ge [sflag:s21], $0x2000  }
0x30: {  	[sflag:s21] =	ssyncset.done $0x0  }
0x31: {  	s30 =	simm.s32 $0x100;
	[sflag:s21] =	ssyncadd.s32 $0xFFFFE000  }
0x32: {  	[tilespmem:s18], [sflag:$0x1] =	stream.indirect.gather [spmem:s2], $0x40, s30, s17, $0xb8;
	[tilespmem:$0x1CC00] =	vst v63  }
0x33: {  	s31 =	simm.s32 $0x2880  }
0x34: {  	[spmem:s3] =	stream.indirect.scatter.add.f32 [tilespmem:s19], [sflag:$0x3], $0x40, s31, s17, $0xb8;
	[tilespmem:$0x1CC00] =	vst v63  }
0x35: {  	_ =	swait.ge [sflag:s20], $0x2000  }
0x36: {  	s26 =	simm.s32 $0x400;
	[sflag:s20] =	ssyncset.done $0x0  }
.LBB2_2:
0x37: {  	p0 =	sne.s32 s26, $0x9800  }
0x38: {  	[sflag:s20] =	ssyncadd.s32 $0xFFFFE000;
	s28 =	smov.u32 s26;
	s26 =	sadd.s32 $0x400, s26  }
0x39: {  	_ = 	snop  }
0x3a: {  	_ =	swait.ge [sflag:s16], $0x2000  }
0x3b: {  	s28 =	sshra.s32 s28, $0x2;
	[sflag:s16] =	ssyncset.done $0x0  }
0x3c: {  	s29 =	sadd.s32 $0x80, s28;
	[sflag:s16] =	ssyncadd.s32 $0xFFFFE000  }
0x3d: {  	[tilespmem:s19], [sflag:$0x2] =	stream.indirect.gather [spmem:s2], $0x40, s29, s17, $0xb8;
	[tilespmem:$0x1CC00] =	vst v63  }
0x3e: {  	s29 =	sadd.s32 $0x2800, s28  }
0x3f: {  	[spmem:s3] =	stream.indirect.scatter.add.f32 [tilespmem:s18], [sflag:$0x3], $0x40, s29, s17, $0xb8;
	[tilespmem:$0x1CC00] =	vst v63  }
0x40: {  	_ =	swait.ge [sflag:s20], $0x2000  }
0x41: {  	[sflag:s20] =	ssyncset.done $0x0  }
0x42: {  	[sflag:s20] =	ssyncadd.s32 $0xFFFFE000  }
0x43: {  	_ =	swait.ge [sflag:s21], $0x2000  }
0x44: {  	[sflag:s21] =	ssyncset.done $0x0  }
0x45: {  	s29 =	sadd.s32 $0x100, s28;
	[sflag:s21] =	ssyncadd.s32 $0xFFFFE000  }
0x46: {  	[tilespmem:s18], [sflag:$0x1] =	stream.indirect.gather [spmem:s2], $0x40, s29, s17, $0xb8;
	[tilespmem:$0x1CC00] =	vst v63  }
.Ltmp0:
0x47: {  	_ = 	snop;
	(pc) =	sbr.rel @p0 .LBB2_2-.Ltmp0, $4  }
0x48: {  	s28 =	sadd.s32 $0x2880, s28  }
0x49: {  	[spmem:s3] =	stream.indirect.scatter.add.f32 [tilespmem:s19], [sflag:$0x3], $0x40, s28, s17, $0xb8;
	[tilespmem:$0x1CC00] =	vst v63  }
0x4a: {  	_ =	swait.ge [sflag:s20], $0x2000  }
0x4b: {  	[sflag:s20] =	ssyncset.done $0x0  }
0x4c: {  	[sflag:s20] =	ssyncadd.s32 $0xFFFFE000  }
0x4d: {  	_ =	swait.ge [sflag:s16], $0x2000  }
0x4e: {  	[sflag:s16] =	ssyncset.done $0x0  }
0x4f: {  	[sflag:s16] =	ssyncadd.s32 $0xFFFFE000  }
0x50: {  	[tilespmem:s19], [sflag:$0x2] =	stream.indirect.gather [spmem:s2], $0x40, s22, s17, $0xb8;
	[tilespmem:$0x1CC00] =	vst v63  }
0x51: {  	_ = 	snop  }
0x52: {  	[spmem:s3] =	stream.indirect.scatter.add.f32 [tilespmem:s18], [sflag:$0x3], $0x40, s23, s17, $0xb8;
	[tilespmem:$0x1CC00] =	vst v63  }
0x53: {  	_ =	swait.ge [sflag:s20], $0x2000  }
0x54: {  	[sflag:s20] =	ssyncset.done $0x0  }
0x55: {  	[sflag:s20] =	ssyncadd.s32 $0xFFFFE000  }
0x56: {  	_ =	swait.ge [sflag:s21], $0x2000  }
0x57: {  	[sflag:s21] =	ssyncset.done $0x0  }
0x58: {  	[sflag:s21] =	ssyncadd.s32 $0xFFFFE000  }
0x59: {  	[tilespmem:s18], [sflag:$0x1] =	stream.indirect.gather [spmem:s2], $0x40, s22, s17, $0xb8;
	[tilespmem:$0x1CC00] =	vst v63  }
0x5a: {  	_ = 	snop  }
0x5b: {  	[spmem:s3] =	stream.indirect.scatter.add.f32 [tilespmem:s19], [sflag:$0x3], $0x40, s24, s17, $0xb8;
	[tilespmem:$0x1CC00] =	vst v63  }
0x5c: {  	_ =	swait.ge [sflag:s20], $0x2000  }
0x5d: {  	[sflag:s20] =	ssyncset.done $0x0  }
0x5e: {  	[sflag:s20] =	ssyncadd.s32 $0xFFFFE000  }
0x5f: {  	_ =	swait.ge [sflag:s16], $0x2000  }
0x60: {  	s25 =	sadd.s32 $0x1, s25;
	[sflag:s16] =	ssyncset.done $0x0  }
0x61: {  	p0 =	sne.s32 s25, s12;
	[sflag:s16] =	ssyncadd.s32 $0xFFFFE000  }
.Ltmp1:
0x62: {  	s26 =	sor.u32 $0x1C03, s8;
	[bflag:$0x0] =	sbarrier.arrive $0xFFFF;
	(pc) =	sbr.rel @p0 .LBB2_1-.Ltmp1, $4  }
0x63: {  	[hbm:s11], [sflag:s26] =	dma.local [spmem:s15], $0x13C0  }
0x64: {  	_ =	swait.ge [sflag:s20], $0x13C0  }
0x65: {  	[sflag:s20] =	ssyncset.done $0x0  }
0x66: {  	[sflag:s20] =	ssyncadd.s32 $0xFFFFEC40  }
0x67: {  	_ =	sfence.sel $0x180000  }
0x68: {  	[bflag:$0x0] =	sbarrier.arrive $0xFFFF  }
0x69: {  	p0 =	sne.s32 s0, $0x0;
	_ =	strace $0x9000004A  }
0x6a: {  	s0 =	sadd.s32 @!p0 $0x100000, s1;
	[bflag:$0x2] =	sbarrier.arrive $0xFFFF  }
0x6b: {  	[sflag:s0] =	ssyncadd.tile.s32 @!p0 $0x1;
	_ =	shalt  }
.Lfunc_end2:
_tile_overlayer_lowered:
.L_overlay_start_2:
0x6c: {  	(tag) =	ssettag $0x2  }
0x6d: {  	s0 =	rddreg [dreg:$0x0];
	s2 =	stileid.u32  }
0x6e: {  	s1 =	rddreg [dreg:$0x1];
	p0 =	sne.s32 s2, $0x0  }
0x6f: {  	s3 =	rddreg [dreg:$0x2];
	[bflag:$0x3] =	sbarrier.arrive $0xFFFF;
	s2 =	simm.s32 @!p0 $0x1C03  }
0x70: {  	[timem:s3], [sflag:s2] =	dma.local @!p0 [hbm:s0], s1  }
0x71: {  	s0 =	simm.s32 @!p0 $0x3  }
0x72: {  	_ =	swait.ge @!p0 [sflag:s0], s1  }
0x73: {  	s1 =	ssub.s32 @!p0 $0x0, s1;
	[sflag:s0] =	ssyncset.done @!p0 $0x0  }
0x74: {  	[sflag:s0] =	ssyncadd.s32 @!p0 s1  }
0x75: {  	[bflag:$0x3] =	sbarrier.arrive $0xFFFF  }
0x76: {  	_ =	shalt  }

// kernel: kernel.14.cloned.1.call-start
scs
__scs_entry_jumppad:
0x0: {  	(pc) =	sbr.rel $0x88, $3  }
0x1: {  	(tag) =	ssettag $0x0;
	lr =	simm.s32 $0x1  }
0x2: {  	[smem:$0x3F97] =	sst lr;
	_ =	strace $0xD0000000  }
0x3: {  	_ = 	snop  }
0x4: {  	_ = 	snop  }
0x5: {  	_ = 	snop  }
0x6: {  	_ = 	snop  }
0x7: {  	_ = 	snop  }
__scs_overlays_trampoline_lowered:
0x8: {  	[smem:$0x3FA6] =	sst s0  }
0x9: {  	[smem:$0x3FA7] =	sst s1  }
0xa: {  	[smem:$0x3FA8] =	sst s2  }
0xb: {  	[smem:$0x3FA9] =	sst s3  }
0xc: {  	[smem:$0x3FAA] =	sst s4  }
0xd: {  	[smem:$0x3FAB] =	sst s5  }
0xe: {  	[smem:$0x3FAC] =	sst s6  }
0xf: {  	[smem:$0x3FAD] =	sst s7  }
0x10: {  	[smem:$0x3FAE] =	sst s8  }
0x11: {  	[smem:$0x3FAF] =	sst s9;
	s0 =	simm.s32 @!p0 $0x0  }
0x12: {  	s1 =	sld [smem:$0x3F95];
	s0 =	simm.s32 @p0 $0x1  }
0x13: {  	[smem:$0x3FB0] =	sst s0;
	s0 =	simm.s32 @!p1 $0x0  }
0x14: {  	s2 =	sld [smem:$0x3F94];
	s0 =	simm.s32 @p1 $0x1  }
0x15: {  	[smem:$0x3FB1] =	sst s0;
	s0 =	simm.s32 @!p2 $0x0  }
0x16: {  	s3 =	sld [smem:$0x3FDB];
	s0 =	simm.s32 @p2 $0x1  }
0x17: {  	s4 =	simm.s32 $0x1BF5;
	[smem:$0x3FB3] =	sst s0  }
0x18: {  	s0 =	sld [smem:$0x3F96];
	_ =	swait.ge [sflag:s4], $0x0  }
0x19: {  	s7 =	sld [smem:$0x3F97]  }
0x1a: {  	s8 =	sadd.s32 $0xFFFFE003, lr  }
0x1b: {  	s9 =	sadd.s32 $0xFFFFFEF7, lr;
	s5 =	simm.s32 $0xFFFFFFFF;
	p2 =	slt.u32 s8, $0xFFFFF086  }
0x1c: {  	p1 =	slt.u32 s9, $0xF7A;
	s5 =	simm.s32 @!p2 $0x0  }
0x1d: {  	s5 =	simm.s32 @p1 $0x1;
	p0 =	seq.s32 s7, s2  }
0x1e: {  	s7 =	smul.u32 @!p0 $0xF7A, s2;
	p2 =	seq.s32 @!p0 s5, $0x0  }
0x1f: {  	s9 =	smul.u32 $0xF7A, s1;
	s8 =	simm.s32 @!p0 $0x1BF5;
	p2 =	por !p2, p0  }
0x20: {  	[sflag:s8] =	ssyncset.s32 @!p0 $0xFFFFF086;
	s6 =	sadd.s32 @!p0 s3, s7;
	s7 =	simm.s32 @!p0 $0x108  }
0x21: {  	s3 =	sadd.s32 s3, s9;
	s6 =	sadd.s32 @!p0 $0x88, s6;
	s7 =	simm.s32 @p2 $0x1082  }
0x22: {  	[simem:s7], [sflag:s8] =	dma.local @!p0 [hbm:s6], $0xF7A  }
0x23: {  	s9 =	sor.u32 $0xD0000000, s2;
	s6 =	simm.s32 $0x108;
	_ =	swait.ge @!p0 [sflag:s8], $0x0  }
0x24: {  	s3 =	sadd.s32 $0x88, s3;
	s6 =	simm.s32 @!p1 $0x1082;
	[sflag:s4] =	ssyncset.s32 $0xFFFFF086  }
0x25: {  	[simem:s6], [sflag:s4] =	dma.local [hbm:s3], $0xF7A  }
0x26: {  	[smem:$0x3F97] =	sst s1;
	(tag) =	ssettag s2;
	_ =	strace s9  }
0x27: {  	s1 =	sld [smem:$0x3FA7]  }
0x28: {  	s2 =	sld [smem:$0x3FA8]  }
0x29: {  	s4 =	sld [smem:$0x3FAA]  }
0x2a: {  	p0 =	seq.s32 s5, $0x0;
	s5 =	sld [smem:$0x3FAB]  }
0x2b: {  	s6 =	sld [smem:$0x3FAC]  }
0x2c: {  	s7 =	sld [smem:$0x3FAD]  }
0x2d: {  	s3 =	simm.s32 $0x108;
	s8 =	sld [smem:$0x3FAE]  }
0x2e: {  	s3 =	simm.s32 @!p0 $0x1082;
	s9 =	sld [smem:$0x3FAF]  }
0x2f: {  	lr =	sadd.s32 s0, s3;
	s0 =	sld [smem:$0x3FA6]  }
0x30: {  	s3 =	sld [smem:$0x3FA9]  }
0x31: {  	[smem:$0x3FB2] =	sst s10  }
0x32: {  	s10 =	sld [smem:$0x3FB0];
	_ =	sdelay $0x3  }
0x33: {  	p0 =	seq.s32 s10, $0x1;
	s10 =	sld [smem:$0x3FB2];
	_ =	sdelay $0x3  }
0x34: {  	[smem:$0x3FB2] =	sst s10  }
0x35: {  	s10 =	sld [smem:$0x3FB1];
	_ =	sdelay $0x3  }
0x36: {  	p1 =	seq.s32 s10, $0x1;
	s10 =	sld [smem:$0x3FB2];
	_ =	sdelay $0x3  }
0x37: {  	[smem:$0x3FB2] =	sst s10  }
0x38: {  	s10 =	sld [smem:$0x3FB3]  }
0x39: {  	_ = 	snop;
	(pc) =	sbr.ind lr, $3  }
0x3a: {  	_ = 	snop  }
0x3b: {  	_ = 	snop  }
0x3c: {  	p2 =	seq.s32 s10, $0x1;
	s10 =	sld [smem:$0x3FB2]  }
0x3d: {  	_ =	shalt  }
0x3e: {  	_ =	shalt  }
0x3f: {  	_ =	shalt  }
0x40: {  	_ =	shalt  }
0x41: {  	_ =	shalt  }
0x42: {  	_ =	shalt  }
0x43: {  	_ =	shalt  }
0x44: {  	_ =	shalt  }
0x45: {  	_ =	shalt  }
0x46: {  	_ =	shalt  }
0x47: {  	_ =	shalt  }
0x48: {  	_ =	shalt  }
0x49: {  	_ =	shalt  }
0x4a: {  	_ =	shalt  }
0x4b: {  	_ =	shalt  }
0x4c: {  	_ =	shalt  }
0x4d: {  	_ =	shalt  }
0x4e: {  	_ =	shalt  }
0x4f: {  	_ =	shalt  }
0x50: {  	_ =	shalt  }
0x51: {  	_ =	shalt  }
0x52: {  	_ =	shalt  }
0x53: {  	_ =	shalt  }
0x54: {  	_ =	shalt  }
0x55: {  	_ =	shalt  }
0x56: {  	_ =	shalt  }
0x57: {  	_ =	shalt  }
0x58: {  	_ =	shalt  }
0x59: {  	_ =	shalt  }
0x5a: {  	_ =	shalt  }
0x5b: {  	_ =	shalt  }
0x5c: {  	_ =	shalt  }
0x5d: {  	_ =	shalt  }
0x5e: {  	_ =	shalt  }
0x5f: {  	_ =	shalt  }
0x60: {  	_ =	shalt  }
0x61: {  	_ =	shalt  }
0x62: {  	_ =	shalt  }
0x63: {  	_ =	shalt  }
0x64: {  	_ =	shalt  }
0x65: {  	_ =	shalt  }
0x66: {  	_ =	shalt  }
0x67: {  	_ =	shalt  }
0x68: {  	_ =	shalt  }
0x69: {  	_ =	shalt  }
0x6a: {  	_ =	shalt  }
0x6b: {  	_ =	shalt  }
0x6c: {  	_ =	shalt  }
0x6d: {  	_ =	shalt  }
0x6e: {  	_ =	shalt  }
0x6f: {  	_ =	shalt  }
0x70: {  	_ =	shalt  }
0x71: {  	_ =	shalt  }
0x72: {  	_ =	shalt  }
0x73: {  	_ =	shalt  }
0x74: {  	_ =	shalt  }
0x75: {  	_ =	shalt  }
0x76: {  	_ =	shalt  }
0x77: {  	_ =	shalt  }
0x78: {  	_ =	shalt  }
0x79: {  	_ =	shalt  }
0x7a: {  	_ =	shalt  }
0x7b: {  	_ =	shalt  }
0x7c: {  	_ =	shalt  }
0x7d: {  	_ =	shalt  }
0x7e: {  	_ =	shalt  }
0x7f: {  	_ =	shalt  }
0x80: {  	_ =	shalt  }
0x81: {  	_ =	shalt  }
0x82: {  	_ =	shalt  }
0x83: {  	_ =	shalt  }
0x84: {  	_ =	shalt  }
0x85: {  	_ =	shalt  }
0x86: {  	_ =	shalt  }
0x87: {  	_ =	shalt  }
.Lfunc_end0:
.L_simem_size_0:
called_computation.2_lowered:
.L_overlay_start_0:
0x88: {  	s2 =	sld [smem:$0x3FD9]  }
0x89: {  	s3 =	sld [smem:$0x3FFE];
	_ =	sdelay $0x1  }
0x8a: {  	s1 =	srdreg.scid  }
0x8b: {  	s0 =	sand.u32 $0x1, s1  }
0x8c: {  	s17 =	sshll.u32 s0, $0xA;
	s2 =	sadd.s32 s3, s2  }
0x8d: {  	s2 =	sadd.s32 s2, s17  }
0x8e: {  	[smem:$0x3FBE] =	sst s2  }
0x8f: {  	_ = 	snop  }
0x90: {  	s2 =	sld [smem:$0x3FD0];
	(tm) =	ssettm $0x1  }
0x91: {  	s18 =	sld [smem:$0x3FFB];
	_ =	sdelay $0x3  }
0x92: {  	_ =	strace s18  }
0x93: {  	s3 =	sld [smem:$0x3FFC];
	_ =	sdelay $0x3  }
0x94: {  	_ =	strace s3  }
0x95: {  	s3 =	sld [smem:$0x3FFD];
	_ =	sdelay $0x3  }
0x96: {  	_ =	strace s3  }
0x97: {  	_ =	strace $0x8FFFFFFF  }
0x98: {  	s19 =	sld [smem:$0x3FDB];
	_ =	sdelay $0x1  }
0x99: {  	s4 =	simm.s32 $_scs_section_size  }
0x9a: {  	s5 =	simm.s32 $_size__tile_overlayer_lowered;
	s6 =	simm.s32 $_tile_overlayer_lowered  }
0x9b: {  	s22 =	simm.s32 $0x1BFF;
	s21 =	sshll.u32 s6, $0x1;
	s3 =	sadd.s32 s4, s19  }
0x9c: {  	s7 =	simm.s32 $0x0;
	s20 =	sshll.u32 s5, $0x1;
	s5 =	sadd.s32 s21, s3  }
0x9d: {  	[timem:s7], [sflag:s22] =	dma.local [hbm:s5], s20  }
0x9e: {  	_ =	swait.ge [sflag:s22], s20  }
0x9f: {  	s4 =	ssub.s32 $0x0, s20;
	[sflag:s22] =	ssyncset.done $0x0  }
0xa0: {  	[sflag:s22] =	ssyncadd.s32 s4;
	_ =	sdelay $0x1  }
0xa1: {  	s23 =	simm.s32 $0x1B8B  }
0xa2: {  	_ =	swait.ge [sflag:s23], $0x1  }
0xa3: {  	[sflag:s23] =	ssyncset.done $0x0  }
0xa4: {  	s25 =	simm.s32 $0x1B8E;
	s24 =	sld [smem:$0x3FFE];
	[sflag:s23] =	ssyncadd.s32 $0xFFFFFFFF  }
0xa5: {  	s26 =	simm.s32 $execute0_lowered;
	[smem:$0x3FD2] =	sst s25  }
0xa6: {  	s5 =	sshll.u32 s26, $0x1;
	_ =	strace $0x8000004C;
	[dreg:$0x1] =	wrdreg $0xFFFFFFFF  }
0xa7: {  	s28 =	simm.s32 $_size_execute0_lowered;
	s3 =	sadd.s32 s3, s5;
	[dreg:$0x0] =	wrdreg $0x0  }
0xa8: {  	s5 =	sshll.u32 s28, $0x1;
	[dreg:$0x2] =	wrdreg s3  }
0xa9: {  	[dreg:$0x3] =	wrdreg s5  }
0xaa: {  	[dreg:$0x4] =	wrdreg $0xC0  }
0xab: {  	_ =	task [dreg:s7], $0x5FFFF  }
0xac: {  	[dreg:$0x1] =	wrdreg $0xFFFFFFFF  }
0xad: {  	[dreg:$0x0] =	wrdreg $0x60  }
0xae: {  	[dreg:$0x2] =	wrdreg s2  }
0xaf: {  	[dreg:$0x3] =	wrdreg s24  }
0xb0: {  	[dreg:$0x4] =	wrdreg $0x90000  }
0xb1: {  	[dreg:$0x5] =	wrdreg $0x12E000  }
0xb2: {  	[dreg:$0x6] =	wrdreg $0x9  }
0xb3: {  	_ =	task.clear_ibuf [dreg:s7], $0x7FFFF;
	_ =	strace $0x9000004C  }
0xb4: {  	s29 =	simm.s32 $0x9;
	_ =	strace $0x8000004E  }
0xb5: {  	_ =	swait.ge [sflag:s29], $0x1  }
0xb6: {  	[sflag:s29] =	ssyncadd.s32 $0xFFFFFFFF  }
0xb7: {  	_ =	strace $0x9000004E  }
0xb8: {  	_ =	sfence  }
0xb9: {  	s30 =	sld [smem:$0x0];
	_ =	sdelay $0x2  }
0xba: {  	s31 =	sshll.u32 s1, $0xD;
	s1 =	sshrl.u32 s1, $0x2  }
0xbb: {  	s3 =	sand.u32 $0x4000, s31;
	s1 =	sadd.s32 s1, s30  }
0xbc: {  	s0 =	sor.u32 s3, s0;
	s1 =	sshll.u32 s1, $0x11  }
0xbd: {  	s0 =	sor.u32 s1, s0  }
0xbe: {  	s0 =	sadd.s32 $0x8F2B, s0  }
0xbf: {  	[sflag:s0] =	ssyncadd.remote.s32 $0x1  }
0xc0: {  	_ =	sfence.sel $0xFFFF  }
0xc1: {  	[dreg:$0x0] =	wrdreg $0xFFFFFFFF;
	(pc) =	sbr.abs _section_cstart, $3  }
0xc2: {  	[dreg:$0x1] =	wrdreg $0xFFFFFFFF  }
0xc3: {  	_ =	task.clear_ibuf [dreg:s7], $0x2FFFF;
	_ =	strace $0x9FFFFFFF  }
0xc4: {  	(tm) =	ssettm $0x7FFFFFFF  }
0xc5: {  	_ =	shalt  }
tec
execute0_lowered:
.L_overlay_start_1:
0x0: {  	(tag) =	ssettag $0x1  }
0x1: {  	s7 =	rddreg [dreg:$0x0]  }
0x2: {  	s6 =	rddreg [dreg:$0x1]  }
0x3: {  	s2 =	rddreg [dreg:$0x2]  }
0x4: {  	s0 =	srdreg.scid;
	s3 =	rddreg [dreg:$0x3];
	s4 =	simm.s32 $0x0  }
0x5: {  	s17 =	simm.s32 $0x80;
	s18 =	simm.s32 $0x5000;
	s19 =	simm.s32 $0x7000  }
0x6: {  	s20 =	simm.s32 $0x3;
	s21 =	simm.s32 $0x2;
	s22 =	simm.s32 $0x2780  }
0x7: {  	s23 =	simm.s32 $0x4F00;
	s24 =	simm.s32 $0x4F80;
	s25 =	simm.s32 $0x0  }
0x8: {  	s5 =	sand.u32 $0x1, s0;
	s0 =	stileid.u32;
	[smem:$0x7FF] =	sst s4  }
0x9: {  	s1 =	sshll.u32 s5, $0x4;
	s9 =	smul.u32 $0x9E000, s5;
	s5 =	ssub.s32 $0x2, s5  }
0xa: {  	s10 =	smul.u32 $0x9E00, s0;
	s1 =	sor.u32 s0, s1;
	s31 =	sshrl.u32 s5, $0x1  }
0xb: {  	s8 =	smul.u32 $0x500, s1;
	s1 =	rddreg [dreg:$0x4];
	_ =	strace $0x8000004D  }
0xc: {  	s9 =	sadd.s32 s10, s9;
	s11 =	sshrl.u32 s10, $0x3;
	s14 =	ssub.s32 s5, s31  }
0xd: {  	s15 =	sadd.s32 s10, s2;
	s16 =	sadd.s32 s10, s3;
	s9 =	sshrl.u32 s9, $0x3  }
0xe: {  	s12 =	sadd.s32 s11, s6;
	s7 =	sadd.s32 s7, s11;
	s8 =	sadd.s32 s8, s6  }
0xf: {  	s13 =	sadd.s32 s9, s6;
	s10 =	sadd.s32 $0x1B000, s12;
	s12 =	smax.u32 s14, $0x1  }
0x10: {  	s14 =	sshrl.u32 s15, $0x3;
	s15 =	sshrl.u32 s16, $0x3;
	s16 =	simm.s32 $0x1  }
0x11: {  	s5 =	sadd.s32 $0x11000, s8;
	s6 =	sadd.s32 $0x1E00, s8;
	s8 =	sshll.u32 s0, $0x6  }
0x12: {  	s11 =	sadd.s32 $0x2EC00, s13;
	s13 =	simm.s32 $0x2800;
	s9 =	sor.u32 $0x1C01, s8  }
.LBB2_1:
0x13: {  	[tilespmem:s4], [sflag:$0x1] =	stream.linear.gather [hbm4b:s5+s4], $0x2800, $0x38;
	[tilespmem:$0x1CC00] =	vst v63  }
0x14: {  	_ = 	snop  }
0x15: {  	[tilespmem:s13], [sflag:$0x1] =	stream.linear.gather [hbm4b:s6+s4], $0x2800, $0x38;
	[tilespmem:$0x1CC00] =	vst v63  }
0x16: {  	[spmem:s14], [sflag:s9] =	dma.local [hbm:s7], $0x13C0  }
0x17: {  	[spmem:s15], [sflag:s9] =	dma.local [hbm:s10], $0x13C0  }
0x18: {  	_ =	swait.ge [sflag:s16], $0x2800  }
0x19: {  	[sflag:s16] =	ssyncset.done $0x0  }
0x1a: {  	[sflag:s16] =	ssyncadd.s32 $0xFFFFD800  }
0x1b: {  	_ =	swait.ge [sflag:s16], $0x2800  }
0x1c: {  	[sflag:s16] =	ssyncset.done $0x0  }
0x1d: {  	[sflag:s16] =	ssyncadd.s32 $0xFFFFD800  }
0x1e: {  	_ =	swait.ge [sflag:s16], $0x13C0  }
0x1f: {  	[sflag:s16] =	ssyncset.done $0x0  }
0x20: {  	[sflag:s16] =	ssyncadd.s32 $0xFFFFEC40  }
0x21: {  	_ =	swait.ge [sflag:s16], $0x13C0  }
0x22: {  	[sflag:s16] =	ssyncset.done $0x0  }
0x23: {  	[sflag:s16] =	ssyncadd.s32 $0xFFFFEC40  }
0x24: {  	[bflag:$0x0] =	sbarrier.arrive $0xFFFF  }
0x25: {  	[tilespmem:s18], [sflag:$0x1] =	stream.indirect.gather [spmem:s2], $0x40, s4, s17, $0xb8;
	[tilespmem:$0x1CC00] =	vst v63  }
0x26: {  	_ =	swait.ge [sflag:s16], $0x2000  }
0x27: {  	[sflag:s16] =	ssyncset.done $0x0  }
0x28: {  	s26 =	simm.s32 $0x80;
	[sflag:s16] =	ssyncadd.s32 $0xFFFFE000  }
0x29: {  	[tilespmem:s19], [sflag:$0x2] =	stream.indirect.gather [spmem:s2], $0x40, s26, s17, $0xb8;
	[tilespmem:$0x1CC00] =	vst v63  }
0x2a: {  	s29 =	simm.s32 $0x2800  }
0x2b: {  	[spmem:s3] =	stream.indirect.scatter.add.f32 [tilespmem:s18], [sflag:$0x3], $0x40, s29, s17, $0xb8;
	[tilespmem:$0x1CC00] =	vst v63  }
0x2c: {  	_ =	swait.ge [sflag:s20], $0x2000  }
0x2d: {  	[sflag:s20] =	ssyncset.done $0x0  }
0x2e: {  	[sflag:s20] =	ssyncadd.s32 $0xFFFFE000  }
0x2f: {  	_ =	swait.ge [sflag:s21], $0x2000  }
0x30: {  	[sflag:s21] =	ssyncset.done $0x0  }
0x31: {  	s30 =	simm.s32 $0x100;
	[sflag:s21] =	ssyncadd.s32 $0xFFFFE000  }
0x32: {  	[tilespmem:s18], [sflag:$0x1] =	stream.indirect.gather [spmem:s2], $0x40, s30, s17, $0xb8;
	[tilespmem:$0x1CC00] =	vst v63  }
0x33: {  	s31 =	simm.s32 $0x2880  }
0x34: {  	[spmem:s3] =	stream.indirect.scatter.add.f32 [tilespmem:s19], [sflag:$0x3], $0x40, s31, s17, $0xb8;
	[tilespmem:$0x1CC00] =	vst v63  }
0x35: {  	_ =	swait.ge [sflag:s20], $0x2000  }
0x36: {  	s26 =	simm.s32 $0x400;
	[sflag:s20] =	ssyncset.done $0x0  }
.LBB2_2:
0x37: {  	p0 =	sne.s32 s26, $0x9800  }
0x38: {  	[sflag:s20] =	ssyncadd.s32 $0xFFFFE000;
	s28 =	smov.u32 s26;
	s26 =	sadd.s32 $0x400, s26  }
0x39: {  	_ = 	snop  }
0x3a: {  	_ =	swait.ge [sflag:s16], $0x2000  }
0x3b: {  	s28 =	sshra.s32 s28, $0x2;
	[sflag:s16] =	ssyncset.done $0x0  }
0x3c: {  	s29 =	sadd.s32 $0x80, s28;
	[sflag:s16] =	ssyncadd.s32 $0xFFFFE000  }
0x3d: {  	[tilespmem:s19], [sflag:$0x2] =	stream.indirect.gather [spmem:s2], $0x40, s29, s17, $0xb8;
	[tilespmem:$0x1CC00] =	vst v63  }
0x3e: {  	s29 =	sadd.s32 $0x2800, s28  }
0x3f: {  	[spmem:s3] =	stream.indirect.scatter.add.f32 [tilespmem:s18], [sflag:$0x3], $0x40, s29, s17, $0xb8;
	[tilespmem:$0x1CC00] =	vst v63  }
0x40: {  	_ =	swait.ge [sflag:s20], $0x2000  }
0x41: {  	[sflag:s20] =	ssyncset.done $0x0  }
0x42: {  	[sflag:s20] =	ssyncadd.s32 $0xFFFFE000  }
0x43: {  	_ =	swait.ge [sflag:s21], $0x2000  }
0x44: {  	[sflag:s21] =	ssyncset.done $0x0  }
0x45: {  	s29 =	sadd.s32 $0x100, s28;
	[sflag:s21] =	ssyncadd.s32 $0xFFFFE000  }
0x46: {  	[tilespmem:s18], [sflag:$0x1] =	stream.indirect.gather [spmem:s2], $0x40, s29, s17, $0xb8;
	[tilespmem:$0x1CC00] =	vst v63  }
.Ltmp0:
0x47: {  	_ = 	snop;
	(pc) =	sbr.rel @p0 .LBB2_2-.Ltmp0, $4  }
0x48: {  	s28 =	sadd.s32 $0x2880, s28  }
0x49: {  	[spmem:s3] =	stream.indirect.scatter.add.f32 [tilespmem:s19], [sflag:$0x3], $0x40, s28, s17, $0xb8;
	[tilespmem:$0x1CC00] =	vst v63  }
0x4a: {  	_ =	swait.ge [sflag:s20], $0x2000  }
0x4b: {  	[sflag:s20] =	ssyncset.done $0x0  }
0x4c: {  	[sflag:s20] =	ssyncadd.s32 $0xFFFFE000  }
0x4d: {  	_ =	swait.ge [sflag:s16], $0x2000  }
0x4e: {  	[sflag:s16] =	ssyncset.done $0x0  }
0x4f: {  	[sflag:s16] =	ssyncadd.s32 $0xFFFFE000  }
0x50: {  	[tilespmem:s19], [sflag:$0x2] =	stream.indirect.gather [spmem:s2], $0x40, s22, s17, $0xb8;
	[tilespmem:$0x1CC00] =	vst v63  }
0x51: {  	_ = 	snop  }
0x52: {  	[spmem:s3] =	stream.indirect.scatter.add.f32 [tilespmem:s18], [sflag:$0x3], $0x40, s23, s17, $0xb8;
	[tilespmem:$0x1CC00] =	vst v63  }
0x53: {  	_ =	swait.ge [sflag:s20], $0x2000  }
0x54: {  	[sflag:s20] =	ssyncset.done $0x0  }
0x55: {  	[sflag:s20] =	ssyncadd.s32 $0xFFFFE000  }
0x56: {  	_ =	swait.ge [sflag:s21], $0x2000  }
0x57: {  	[sflag:s21] =	ssyncset.done $0x0  }
0x58: {  	[sflag:s21] =	ssyncadd.s32 $0xFFFFE000  }
0x59: {  	[tilespmem:s18], [sflag:$0x1] =	stream.indirect.gather [spmem:s2], $0x40, s22, s17, $0xb8;
	[tilespmem:$0x1CC00] =	vst v63  }
0x5a: {  	_ = 	snop  }
0x5b: {  	[spmem:s3] =	stream.indirect.scatter.add.f32 [tilespmem:s19], [sflag:$0x3], $0x40, s24, s17, $0xb8;
	[tilespmem:$0x1CC00] =	vst v63  }
0x5c: {  	_ =	swait.ge [sflag:s20], $0x2000  }
0x5d: {  	[sflag:s20] =	ssyncset.done $0x0  }
0x5e: {  	[sflag:s20] =	ssyncadd.s32 $0xFFFFE000  }
0x5f: {  	_ =	swait.ge [sflag:s16], $0x2000  }
0x60: {  	s25 =	sadd.s32 $0x1, s25;
	[sflag:s16] =	ssyncset.done $0x0  }
0x61: {  	p0 =	sne.s32 s25, s12;
	[sflag:s16] =	ssyncadd.s32 $0xFFFFE000  }
.Ltmp1:
0x62: {  	s26 =	sor.u32 $0x1C03, s8;
	[bflag:$0x0] =	sbarrier.arrive $0xFFFF;
	(pc) =	sbr.rel @p0 .LBB2_1-.Ltmp1, $4  }
0x63: {  	[hbm:s11], [sflag:s26] =	dma.local [spmem:s15], $0x13C0  }
0x64: {  	_ =	swait.ge [sflag:s20], $0x13C0  }
0x65: {  	[sflag:s20] =	ssyncset.done $0x0  }
0x66: {  	[sflag:s20] =	ssyncadd.s32 $0xFFFFEC40  }
0x67: {  	_ =	sfence.sel $0x180000  }
0x68: {  	[bflag:$0x0] =	sbarrier.arrive $0xFFFF  }
0x69: {  	p0 =	sne.s32 s0, $0x0;
	_ =	strace $0x9000004D  }
0x6a: {  	s0 =	sadd.s32 @!p0 $0x100000, s1;
	[bflag:$0x2] =	sbarrier.arrive $0xFFFF  }
0x6b: {  	[sflag:s0] =	ssyncadd.tile.s32 @!p0 $0x1;
	_ =	shalt  }
.Lfunc_end2:
_tile_overlayer_lowered:
.L_overlay_start_2:
0x6c: {  	(tag) =	ssettag $0x2  }
0x6d: {  	s0 =	rddreg [dreg:$0x0];
	s2 =	stileid.u32  }
0x6e: {  	s1 =	rddreg [dreg:$0x1];
	p0 =	sne.s32 s2, $0x0  }
0x6f: {  	s3 =	rddreg [dreg:$0x2];
	[bflag:$0x3] =	sbarrier.arrive $0xFFFF;
	s2 =	simm.s32 @!p0 $0x1C03  }
0x70: {  	[timem:s3], [sflag:s2] =	dma.local @!p0 [hbm:s0], s1  }
0x71: {  	s0 =	simm.s32 @!p0 $0x3  }
0x72: {  	_ =	swait.ge @!p0 [sflag:s0], s1  }
0x73: {  	s1 =	ssub.s32 @!p0 $0x0, s1;
	[sflag:s0] =	ssyncset.done @!p0 $0x0  }
0x74: {  	[sflag:s0] =	ssyncadd.s32 @!p0 s1  }
0x75: {  	[bflag:$0x3] =	sbarrier.arrive $0xFFFF  }
0x76: {  	_ =	shalt  }

// kernel: kernel.8.cloned.1.call-start
scs
__scs_entry_jumppad:
0x0: {  	(pc) =	sbr.rel $0x88, $3  }
0x1: {  	(tag) =	ssettag $0x0;
	lr =	simm.s32 $0x1  }
0x2: {  	[smem:$0x3F97] =	sst lr;
	_ =	strace $0xD0000000  }
0x3: {  	_ = 	snop  }
0x4: {  	_ = 	snop  }
0x5: {  	_ = 	snop  }
0x6: {  	_ = 	snop  }
0x7: {  	_ = 	snop  }
__scs_overlays_trampoline_lowered:
0x8: {  	[smem:$0x3FA6] =	sst s0  }
0x9: {  	[smem:$0x3FA7] =	sst s1  }
0xa: {  	[smem:$0x3FA8] =	sst s2  }
0xb: {  	[smem:$0x3FA9] =	sst s3  }
0xc: {  	[smem:$0x3FAA] =	sst s4  }
0xd: {  	[smem:$0x3FAB] =	sst s5  }
0xe: {  	[smem:$0x3FAC] =	sst s6  }
0xf: {  	[smem:$0x3FAD] =	sst s7  }
0x10: {  	[smem:$0x3FAE] =	sst s8  }
0x11: {  	[smem:$0x3FAF] =	sst s9;
	s0 =	simm.s32 @!p0 $0x0  }
0x12: {  	s1 =	sld [smem:$0x3F95];
	s0 =	simm.s32 @p0 $0x1  }
0x13: {  	[smem:$0x3FB0] =	sst s0;
	s0 =	simm.s32 @!p1 $0x0  }
0x14: {  	s2 =	sld [smem:$0x3F94];
	s0 =	simm.s32 @p1 $0x1  }
0x15: {  	[smem:$0x3FB1] =	sst s0;
	s0 =	simm.s32 @!p2 $0x0  }
0x16: {  	s3 =	sld [smem:$0x3FDB];
	s0 =	simm.s32 @p2 $0x1  }
0x17: {  	s4 =	simm.s32 $0x1BF5;
	[smem:$0x3FB3] =	sst s0  }
0x18: {  	s0 =	sld [smem:$0x3F96];
	_ =	swait.ge [sflag:s4], $0x0  }
0x19: {  	s7 =	sld [smem:$0x3F97]  }
0x1a: {  	s8 =	sadd.s32 $0xFFFFE003, lr  }
0x1b: {  	s9 =	sadd.s32 $0xFFFFFEF7, lr;
	s5 =	simm.s32 $0xFFFFFFFF;
	p2 =	slt.u32 s8, $0xFFFFF086  }
0x1c: {  	p1 =	slt.u32 s9, $0xF7A;
	s5 =	simm.s32 @!p2 $0x0  }
0x1d: {  	s5 =	simm.s32 @p1 $0x1;
	p0 =	seq.s32 s7, s2  }
0x1e: {  	s7 =	smul.u32 @!p0 $0xF7A, s2;
	p2 =	seq.s32 @!p0 s5, $0x0  }
0x1f: {  	s9 =	smul.u32 $0xF7A, s1;
	s8 =	simm.s32 @!p0 $0x1BF5;
	p2 =	por !p2, p0  }
0x20: {  	[sflag:s8] =	ssyncset.s32 @!p0 $0xFFFFF086;
	s6 =	sadd.s32 @!p0 s3, s7;
	s7 =	simm.s32 @!p0 $0x108  }
0x21: {  	s3 =	sadd.s32 s3, s9;
	s6 =	sadd.s32 @!p0 $0x88, s6;
	s7 =	simm.s32 @p2 $0x1082  }
0x22: {  	[simem:s7], [sflag:s8] =	dma.local @!p0 [hbm:s6], $0xF7A  }
0x23: {  	s9 =	sor.u32 $0xD0000000, s2;
	s6 =	simm.s32 $0x108;
	_ =	swait.ge @!p0 [sflag:s8], $0x0  }
0x24: {  	s3 =	sadd.s32 $0x88, s3;
	s6 =	simm.s32 @!p1 $0x1082;
	[sflag:s4] =	ssyncset.s32 $0xFFFFF086  }
0x25: {  	[simem:s6], [sflag:s4] =	dma.local [hbm:s3], $0xF7A  }
0x26: {  	[smem:$0x3F97] =	sst s1;
	(tag) =	ssettag s2;
	_ =	strace s9  }
0x27: {  	s1 =	sld [smem:$0x3FA7]  }
0x28: {  	s2 =	sld [smem:$0x3FA8]  }
0x29: {  	s4 =	sld [smem:$0x3FAA]  }
0x2a: {  	p0 =	seq.s32 s5, $0x0;
	s5 =	sld [smem:$0x3FAB]  }
0x2b: {  	s6 =	sld [smem:$0x3FAC]  }
0x2c: {  	s7 =	sld [smem:$0x3FAD]  }
0x2d: {  	s3 =	simm.s32 $0x108;
	s8 =	sld [smem:$0x3FAE]  }
0x2e: {  	s3 =	simm.s32 @!p0 $0x1082;
	s9 =	sld [smem:$0x3FAF]  }
0x2f: {  	lr =	sadd.s32 s0, s3;
	s0 =	sld [smem:$0x3FA6]  }
0x30: {  	s3 =	sld [smem:$0x3FA9]  }
0x31: {  	[smem:$0x3FB2] =	sst s10  }
0x32: {  	s10 =	sld [smem:$0x3FB0];
	_ =	sdelay $0x3  }
0x33: {  	p0 =	seq.s32 s10, $0x1;
	s10 =	sld [smem:$0x3FB2];
	_ =	sdelay $0x3  }
0x34: {  	[smem:$0x3FB2] =	sst s10  }
0x35: {  	s10 =	sld [smem:$0x3FB1];
	_ =	sdelay $0x3  }
0x36: {  	p1 =	seq.s32 s10, $0x1;
	s10 =	sld [smem:$0x3FB2];
	_ =	sdelay $0x3  }
0x37: {  	[smem:$0x3FB2] =	sst s10  }
0x38: {  	s10 =	sld [smem:$0x3FB3]  }
0x39: {  	_ = 	snop;
	(pc) =	sbr.ind lr, $3  }
0x3a: {  	_ = 	snop  }
0x3b: {  	_ = 	snop  }
0x3c: {  	p2 =	seq.s32 s10, $0x1;
	s10 =	sld [smem:$0x3FB2]  }
0x3d: {  	_ =	shalt  }
0x3e: {  	_ =	shalt  }
0x3f: {  	_ =	shalt  }
0x40: {  	_ =	shalt  }
0x41: {  	_ =	shalt  }
0x42: {  	_ =	shalt  }
0x43: {  	_ =	shalt  }
0x44: {  	_ =	shalt  }
0x45: {  	_ =	shalt  }
0x46: {  	_ =	shalt  }
0x47: {  	_ =	shalt  }
0x48: {  	_ =	shalt  }
0x49: {  	_ =	shalt  }
0x4a: {  	_ =	shalt  }
0x4b: {  	_ =	shalt  }
0x4c: {  	_ =	shalt  }
0x4d: {  	_ =	shalt  }
0x4e: {  	_ =	shalt  }
0x4f: {  	_ =	shalt  }
0x50: {  	_ =	shalt  }
0x51: {  	_ =	shalt  }
0x52: {  	_ =	shalt  }
0x53: {  	_ =	shalt  }
0x54: {  	_ =	shalt  }
0x55: {  	_ =	shalt  }
0x56: {  	_ =	shalt  }
0x57: {  	_ =	shalt  }
0x58: {  	_ =	shalt  }
0x59: {  	_ =	shalt  }
0x5a: {  	_ =	shalt  }
0x5b: {  	_ =	shalt  }
0x5c: {  	_ =	shalt  }
0x5d: {  	_ =	shalt  }
0x5e: {  	_ =	shalt  }
0x5f: {  	_ =	shalt  }
0x60: {  	_ =	shalt  }
0x61: {  	_ =	shalt  }
0x62: {  	_ =	shalt  }
0x63: {  	_ =	shalt  }
0x64: {  	_ =	shalt  }
0x65: {  	_ =	shalt  }
0x66: {  	_ =	shalt  }
0x67: {  	_ =	shalt  }
0x68: {  	_ =	shalt  }
0x69: {  	_ =	shalt  }
0x6a: {  	_ =	shalt  }
0x6b: {  	_ =	shalt  }
0x6c: {  	_ =	shalt  }
0x6d: {  	_ =	shalt  }
0x6e: {  	_ =	shalt  }
0x6f: {  	_ =	shalt  }
0x70: {  	_ =	shalt  }
0x71: {  	_ =	shalt  }
0x72: {  	_ =	shalt  }
0x73: {  	_ =	shalt  }
0x74: {  	_ =	shalt  }
0x75: {  	_ =	shalt  }
0x76: {  	_ =	shalt  }
0x77: {  	_ =	shalt  }
0x78: {  	_ =	shalt  }
0x79: {  	_ =	shalt  }
0x7a: {  	_ =	shalt  }
0x7b: {  	_ =	shalt  }
0x7c: {  	_ =	shalt  }
0x7d: {  	_ =	shalt  }
0x7e: {  	_ =	shalt  }
0x7f: {  	_ =	shalt  }
0x80: {  	_ =	shalt  }
0x81: {  	_ =	shalt  }
0x82: {  	_ =	shalt  }
0x83: {  	_ =	shalt  }
0x84: {  	_ =	shalt  }
0x85: {  	_ =	shalt  }
0x86: {  	_ =	shalt  }
0x87: {  	_ =	shalt  }
.Lfunc_end0:
.L_simem_size_0:
called_computation_lowered:
.L_overlay_start_0:
0x88: {  	s2 =	sld [smem:$0x3FD9]  }
0x89: {  	s3 =	sld [smem:$0x3FFE];
	_ =	sdelay $0x1  }
0x8a: {  	s1 =	srdreg.scid  }
0x8b: {  	s0 =	sand.u32 $0x1, s1  }
0x8c: {  	s17 =	sshll.u32 s0, $0xA;
	s2 =	sadd.s32 s3, s2  }
0x8d: {  	s2 =	sadd.s32 s2, s17  }
0x8e: {  	[smem:$0x3FBE] =	sst s2  }
0x8f: {  	_ = 	snop  }
0x90: {  	s2 =	sld [smem:$0x3FD0];
	(tm) =	ssettm $0x1  }
0x91: {  	s18 =	sld [smem:$0x3FFB];
	_ =	sdelay $0x3  }
0x92: {  	_ =	strace s18  }
0x93: {  	s3 =	sld [smem:$0x3FFC];
	_ =	sdelay $0x3  }
0x94: {  	_ =	strace s3  }
0x95: {  	s3 =	sld [smem:$0x3FFD];
	_ =	sdelay $0x3  }
0x96: {  	_ =	strace s3  }
0x97: {  	_ =	strace $0x8FFFFFFF  }
0x98: {  	s19 =	sld [smem:$0x3FDB];
	_ =	sdelay $0x1  }
0x99: {  	s4 =	simm.s32 $_scs_section_size  }
0x9a: {  	s5 =	simm.s32 $_size__tile_overlayer_lowered;
	s6 =	simm.s32 $_tile_overlayer_lowered  }
0x9b: {  	s22 =	simm.s32 $0x1BFF;
	s21 =	sshll.u32 s6, $0x1;
	s3 =	sadd.s32 s4, s19  }
0x9c: {  	s7 =	simm.s32 $0x0;
	s20 =	sshll.u32 s5, $0x1;
	s5 =	sadd.s32 s21, s3  }
0x9d: {  	[timem:s7], [sflag:s22] =	dma.local [hbm:s5], s20  }
0x9e: {  	_ =	swait.ge [sflag:s22], s20  }
0x9f: {  	s4 =	ssub.s32 $0x0, s20;
	[sflag:s22] =	ssyncset.done $0x0  }
0xa0: {  	[sflag:s22] =	ssyncadd.s32 s4;
	_ =	sdelay $0x1  }
0xa1: {  	s23 =	simm.s32 $0x1B8B  }
0xa2: {  	_ =	swait.ge [sflag:s23], $0x1  }
0xa3: {  	[sflag:s23] =	ssyncset.done $0x0  }
0xa4: {  	s25 =	simm.s32 $0x1B8E;
	s24 =	sld [smem:$0x3FFE];
	[sflag:s23] =	ssyncadd.s32 $0xFFFFFFFF  }
0xa5: {  	s26 =	simm.s32 $execute0_lowered;
	[smem:$0x3FD2] =	sst s25  }
0xa6: {  	s5 =	sshll.u32 s26, $0x1;
	_ =	strace $0x80000046;
	[dreg:$0x1] =	wrdreg $0xFFFFFFFF  }
0xa7: {  	s28 =	simm.s32 $_size_execute0_lowered;
	s3 =	sadd.s32 s3, s5;
	[dreg:$0x0] =	wrdreg $0x0  }
0xa8: {  	s5 =	sshll.u32 s28, $0x1;
	[dreg:$0x2] =	wrdreg s3  }
0xa9: {  	[dreg:$0x3] =	wrdreg s5  }
0xaa: {  	[dreg:$0x4] =	wrdreg $0xC0  }
0xab: {  	_ =	task [dreg:s7], $0x5FFFF  }
0xac: {  	[dreg:$0x1] =	wrdreg $0xFFFFFFFF  }
0xad: {  	[dreg:$0x0] =	wrdreg $0x60  }
0xae: {  	[dreg:$0x2] =	wrdreg s24  }
0xaf: {  	[dreg:$0x3] =	wrdreg s2  }
0xb0: {  	[dreg:$0x4] =	wrdreg $0x30000  }
0xb1: {  	[dreg:$0x5] =	wrdreg $0x9  }
0xb2: {  	_ =	task.clear_ibuf [dreg:s7], $0x6FFFF;
	_ =	strace $0x90000046  }
0xb3: {  	s29 =	simm.s32 $0x9;
	_ =	strace $0x80000048  }
0xb4: {  	_ =	swait.ge [sflag:s29], $0x1  }
0xb5: {  	[sflag:s29] =	ssyncadd.s32 $0xFFFFFFFF  }
0xb6: {  	_ =	strace $0x90000048  }
0xb7: {  	_ =	sfence  }
0xb8: {  	s30 =	sld [smem:$0x0];
	_ =	sdelay $0x2  }
0xb9: {  	s31 =	sshll.u32 s1, $0xD;
	s1 =	sshrl.u32 s1, $0x2  }
0xba: {  	s3 =	sand.u32 $0x4000, s31;
	s1 =	sadd.s32 s1, s30  }
0xbb: {  	s0 =	sor.u32 s3, s0;
	s1 =	sshll.u32 s1, $0x11  }
0xbc: {  	s0 =	sor.u32 s1, s0  }
0xbd: {  	s0 =	sadd.s32 $0x8F2B, s0  }
0xbe: {  	[sflag:s0] =	ssyncadd.remote.s32 $0x1  }
0xbf: {  	_ =	sfence.sel $0xFFFF  }
0xc0: {  	[dreg:$0x0] =	wrdreg $0xFFFFFFFF;
	(pc) =	sbr.abs _section_cstart, $3  }
0xc1: {  	[dreg:$0x1] =	wrdreg $0xFFFFFFFF  }
0xc2: {  	_ =	task.clear_ibuf [dreg:s7], $0x2FFFF;
	_ =	strace $0x9FFFFFFF  }
0xc3: {  	(tm) =	ssettm $0x7FFFFFFF  }
tec
execute0_lowered:
.L_overlay_start_1:
0x0: {  	(tag) =	ssettag $0x1  }
0x1: {  	s5 =	rddreg [dreg:$0x0]  }
0x2: {  	s0 =	srdreg.scid;
	s7 =	rddreg [dreg:$0x1]  }
0x3: {  	s2 =	rddreg [dreg:$0x2];
	s3 =	simm.s32 $0x0;
	s13 =	simm.s32 $0x80  }
0x4: {  	s14 =	simm.s32 $0x0;
	s4 =	sand.u32 $0x1, s0;
	s0 =	stileid.u32  }
0x5: {  	[smem:$0x7FF] =	sst s3;
	s1 =	sshll.u32 s4, $0x4;
	s8 =	smul.u32 $0x2780, s0  }
0x6: {  	s10 =	ssub.s32 $0x2, s4;
	s11 =	smul.u32 $0x27800, s4;
	s4 =	sadd.s32 $0xBE00, s5  }
0x7: {  	s31 =	sshll.u32 s0, $0x6;
	s6 =	sor.u32 s0, s1;
	s1 =	rddreg [dreg:$0x3]  }
0x8: {  	_ =	strace $0x80000047;
	s29 =	sshrl.u32 s10, $0x1;
	s6 =	smul.u32 $0x500, s6  }
0x9: {  	s9 =	sshrl.u32 s8, $0x3;
	s10 =	ssub.s32 s10, s29;
	s11 =	sadd.s32 s8, s11  }
0xa: {  	s12 =	sadd.s32 s8, s2;
	s9 =	sadd.s32 s9, s5;
	s30 =	sshrl.u32 s11, $0x3  }
0xb: {  	s8 =	smax.u32 s10, $0x1;
	s10 =	simm.s32 $0x2800;
	s11 =	sor.u32 $0x1C01, s31  }
0xc: {  	s12 =	sshrl.u32 s12, $0x3;
	s6 =	sadd.s32 s6, s5;
	s7 =	sadd.s32 s7, s30  }
0xd: {  	s5 =	sadd.s32 $0x1E00, s6;
	s6 =	sadd.s32 $0xC000, s9;
	s9 =	simm.s32 $0x1  }
.LBB2_1:
0xe: {  	[tilespmem:s3], [sflag:$0x1] =	stream.linear.gather [hbm4b:s5+s3], $0x2800, $0x38;
	[tilespmem:$0x5780] =	vst v63  }
0xf: {  	_ =	swait.ge [sflag:s9], $0x2800  }
0x10: {  	[sflag:s9] =	ssyncset.done $0x0  }
0x11: {  	[sflag:s9] =	ssyncadd.s32 $0xFFFFD800  }
0x12: {  	[tilespmem:s10], [sflag:$0x1] =	stream.linear.gather [hbm4b:s4+s3], $0x800, $0x38;
	[tilespmem:$0x5780] =	vst v63  }
0x13: {  	_ =	swait.ge [sflag:s9], $0x800  }
0x14: {  	[sflag:s9] =	ssyncset.done $0x0  }
0x15: {  	[sflag:s9] =	ssyncadd.s32 $0xFFFFF800  }
0x16: {  	[spmem:s12], [sflag:s11] =	dma.local [hbm:s6], $0x4F0  }
0x17: {  	_ =	swait.ge [sflag:s9], $0x4F0  }
0x18: {  	[sflag:s9] =	ssyncset.done $0x0  }
0x19: {  	[sflag:s9] =	ssyncadd.s32 $0xFFFFFB10  }
0x1a: {  	s15 =	simm.s32 $0x0;
	[bflag:$0x0] =	sbarrier.arrive $0xFFFF  }
0x1b: {  	[spmem:s2] =	stream.indirect.scatter.add.f32 [tilespmem:s10], [sflag:$0x1], $0x10, s15, s13, $0xb8;
	[tilespmem:$0x5780] =	vst v63  }
0x1c: {  	_ =	swait.ge [sflag:s9], $0x800  }
0x1d: {  	s15 =	simm.s32 $0x200;
	[sflag:s9] =	ssyncset.done $0x0  }
.LBB2_2:
0x1e: {  	s16 =	sshra.s32 s15, $0x2;
	[sflag:s9] =	ssyncadd.s32 $0xFFFFF800;
	p0 =	sne.s32 s15, $0x9E00  }
0x1f: {  	[spmem:s2] =	stream.indirect.scatter.add.f32 [tilespmem:s10], [sflag:$0x1], $0x10, s16, s13, $0xb8;
	[tilespmem:$0x5780] =	vst v63  }
.Ltmp0:
0x20: {  	_ = 	snop;
	(pc) =	sbr.rel @p0 .LBB2_2-.Ltmp0, $4  }
0x21: {  	_ = 	snop  }
0x22: {  	s15 =	sadd.s32 $0x200, s15  }
0x23: {  	_ =	swait.ge [sflag:s9], $0x800  }
0x24: {  	[sflag:s9] =	ssyncset.done $0x0  }
0x25: {  	s14 =	sadd.s32 $0x1, s14  }
0x26: {  	[sflag:s9] =	ssyncadd.s32 $0xFFFFF800;
	p0 =	sne.s32 s14, s8  }
.Ltmp1:
0x27: {  	[bflag:$0x0] =	sbarrier.arrive $0xFFFF;
	(pc) =	sbr.rel @p0 .LBB2_1-.Ltmp1, $4  }
0x28: {  	[hbm:s7], [sflag:s11] =	dma.local [spmem:s12], $0x4F0  }
0x29: {  	_ =	swait.ge [sflag:s9], $0x4F0  }
0x2a: {  	[sflag:s9] =	ssyncset.done $0x0  }
0x2b: {  	[sflag:s9] =	ssyncadd.s32 $0xFFFFFB10  }
0x2c: {  	_ =	sfence.sel $0x180000  }
0x2d: {  	[bflag:$0x0] =	sbarrier.arrive $0xFFFF  }
0x2e: {  	p0 =	sne.s32 s0, $0x0;
	_ =	strace $0x90000047  }
0x2f: {  	s0 =	sadd.s32 @!p0 $0x100000, s1;
	[bflag:$0x2] =	sbarrier.arrive $0xFFFF  }
0x30: {  	[sflag:s0] =	ssyncadd.tile.s32 @!p0 $0x1;
	_ =	shalt  }
.Lfunc_end2:
_tile_overlayer_lowered:
.L_overlay_start_2:
0x31: {  	(tag) =	ssettag $0x2  }
0x32: {  	s0 =	rddreg [dreg:$0x0];
	s2 =	stileid.u32  }
0x33: {  	s1 =	rddreg [dreg:$0x1];
	p0 =	sne.s32 s2, $0x0  }
0x34: {  	s3 =	rddreg [dreg:$0x2];
	[bflag:$0x3] =	sbarrier.arrive $0xFFFF;
	s2 =	simm.s32 @!p0 $0x1C01  }
0x35: {  	[timem:s3], [sflag:s2] =	dma.local @!p0 [hbm:s0], s1  }
0x36: {  	s0 =	simm.s32 @!p0 $0x1  }
0x37: {  	_ =	swait.ge @!p0 [sflag:s0], s1  }
0x38: {  	s1 =	ssub.s32 @!p0 $0x0, s1;
	[sflag:s0] =	ssyncset.done @!p0 $0x0  }
0x39: {  	[sflag:s0] =	ssyncadd.s32 @!p0 s1  }
0x3a: {  	[bflag:$0x3] =	sbarrier.arrive $0xFFFF  }
0x3b: {  	_ =	shalt  }

</sc_bundles>
